<compile_context>
chip_gen: v7x
topology: tpu7x:2x2x1
jax: 0.10.2.dev20260603
libtpu: 0.0.44.dev20260713+nightly
codegen_flags: <defaults>
</compile_context>

<pallas_src>
import functools

import jax
import jax.numpy as jnp
from jax import lax
from jax.experimental import pallas as pl
from jax.experimental.pallas import tpu as pltpu
from jax.experimental.pallas import tpu_sc as plsc

B = 8
N_SITES = 2048
N_JUNC = 1024
N_TX = 64
J_PER_TX = 16
D = 256
IN_CH = 2 * D
HID = 512

NSPLIT = 2
GB = B // NSPLIT
SLICE_ROWS = 2 * GB * N_JUNC
NW = 32
ROWS_PER_W = SLICE_ROWS // NW
CHUNK = 128
N_CHUNKS = ROWS_PER_W // CHUNK
OROW = 72


def _sc_gather(table, idx):
    mesh = plsc.VectorSubcoreMesh(core_axis_name="c", subcore_axis_name="s")

    @functools.partial(
        pl.kernel,
        mesh=mesh,
        out_type=jax.ShapeDtypeStruct((SLICE_ROWS, D), jnp.float32),
        scratch_types=[
            pltpu.VMEM((N_CHUNKS, CHUNK), jnp.int32),
            pltpu.VMEM((CHUNK, D), jnp.float32),
            pltpu.VMEM((CHUNK, D), jnp.float32),
            pltpu.SemaphoreType.DMA,
            pltpu.SemaphoreType.DMA,
        ],
    )
    def k(table_hbm, idx_hbm, out_hbm, idx_v, buf0, buf1, sem0, sem1):
        wid = lax.axis_index("s") * 2 + lax.axis_index("c")
        base = wid * ROWS_PER_W
        pltpu.sync_copy(idx_hbm.at[wid], idx_v)
        bufs = (buf0, buf1)
        sems = (sem0, sem1)
        prev = pltpu.async_copy(table_hbm.at[idx_v.at[0]], bufs[0], sems[0])
        for c in range(1, N_CHUNKS):
            cur = pltpu.async_copy(table_hbm.at[idx_v.at[c]], bufs[c % 2], sems[c % 2])
            prev.wait()
            pltpu.sync_copy(bufs[(c - 1) % 2],
                            out_hbm.at[pl.ds(base + (c - 1) * CHUNK, CHUNK)])
            prev = cur
        prev.wait()
        pltpu.sync_copy(bufs[(N_CHUNKS - 1) % 2],
                        out_hbm.at[pl.ds(base + (N_CHUNKS - 1) * CHUNK, CHUNK)])

    return k(table, idx)


def _tc_body(xd_ref, xa_ref, w1d_ref, w1a_ref, b1_ref, w2_ref, b2_ref,
             w3_ref, ids_ref, scal_ref, out_ref):
    xd = xd_ref[...].astype(jnp.bfloat16)
    xa = xa_ref[...].astype(jnp.bfloat16)
    h1 = (jnp.dot(xd, w1d_ref[...], preferred_element_type=jnp.float32)
          + jnp.dot(xa, w1a_ref[...], preferred_element_type=jnp.float32))
    h1 = jnp.maximum(h1 + b1_ref[0:1], 0.0).astype(jnp.bfloat16)
    h2 = jnp.dot(h1, w2_ref[...], preferred_element_type=jnp.float32)
    h2 = jnp.maximum(h2 + b2_ref[0:1], 0.0).astype(jnp.bfloat16)

    ids = ids_ref[0]
    jidx = lax.broadcasted_iota(jnp.int32, (N_TX, N_JUNC), 1)
    a = jnp.zeros((N_TX, N_JUNC), jnp.float32)
    for k in range(J_PER_TX):
        a = a + (ids[:, k:k + 1] == jidx).astype(jnp.float32)
    a = a.astype(jnp.bfloat16)
    th = jnp.dot(a, h2, preferred_element_type=jnp.float32)
    tp = jnp.dot(th.astype(jnp.bfloat16), w3_ref[...],
                 preferred_element_type=jnp.float32)
    tp = tp + scal_ref[0, 0] * J_PER_TX

    rows = lax.broadcasted_iota(jnp.int32, (OROW, 128), 0)
    tp_pad = jnp.concatenate(
        [tp, jnp.zeros((OROW - N_TX, 128), jnp.float32)], axis=0)
    neg_inf = jnp.float32(-jnp.inf)
    v = jnp.where(rows < N_TX, tp_pad,
                  jnp.where(rows == N_TX, scal_ref[0, 1], neg_inf))
    m = jnp.max(v, axis=0, keepdims=True)
    e = jnp.exp(v - m)
    out_ref[0] = e / jnp.sum(e, axis=0, keepdims=True)


def _tc_mlp(embs, w1d, w1a, b1r, w2, b2r, w3, ids, scal, sl):
    return pl.pallas_call(
        _tc_body,
        grid=(GB,),
        in_specs=[
            pl.BlockSpec((N_JUNC, D), lambda s: (s, 0)),
            pl.BlockSpec((N_JUNC, D), lambda s: (GB + s, 0)),
            pl.BlockSpec((D, HID), lambda s: (0, 0)),
            pl.BlockSpec((D, HID), lambda s: (0, 0)),
            pl.BlockSpec((1, HID), lambda s: (0, 0)),
            pl.BlockSpec((HID, HID), lambda s: (0, 0)),
            pl.BlockSpec((1, HID), lambda s: (0, 0)),
            pl.BlockSpec((HID, 128), lambda s: (0, 0)),
            pl.BlockSpec((1, N_TX, 128), lambda s, q=sl: (q * GB + s, 0, 0)),
            pl.BlockSpec((1, 2), lambda s: (0, 0), memory_space=pltpu.SMEM),
        ],
        out_specs=pl.BlockSpec((1, OROW, 128), lambda s: (s, 0, 0)),
        out_shape=jax.ShapeDtypeStruct((GB, OROW, 128), jnp.float32),
    )(embs, embs, w1d, w1a, b1r, w2, b2r, w3, ids, scal)


def kernel(splice_site_reps, junction_indices, transcript_junction_ids,
           W1, b1, W2, b2, W3, b3, ref_potential):
    table = splice_site_reps.reshape(B * N_SITES, D)
    idx = (junction_indices.astype(jnp.int32)
           + (jnp.arange(B, dtype=jnp.int32) * N_SITES)[:, None, None])
    idx = jnp.transpose(idx.reshape(NSPLIT, GB, N_JUNC, 2),
                        (0, 3, 1, 2))

    w1d = W1[:D].astype(jnp.bfloat16)
    w1a = W1[D:].astype(jnp.bfloat16)
    w2 = W2.astype(jnp.bfloat16)
    w3 = jnp.tile(W3, (1, 128)).astype(jnp.bfloat16)
    b1r = b1.reshape(1, HID)
    b2r = b2.reshape(1, HID)
    scal = jnp.concatenate([b3, ref_potential]).reshape(1, 2)
    ids = jnp.pad(transcript_junction_ids.astype(jnp.int32),
                  ((0, 0), (0, 0), (0, 128 - J_PER_TX)))

    outs = []
    for sl in range(NSPLIT):
        idx_s = idx[sl].reshape(NW, N_CHUNKS, CHUNK)
        embs = _sc_gather(table, idx_s)
        outs.append(_tc_mlp(embs, w1d, w1a, b1r, w2, b2r, w3, ids, scal, sl))
    out = jnp.concatenate(outs, axis=0)
    return out[:, :N_TX + 1, 0]

# --- scband reference (transcript-rebuilt; emitter-appended) ---
"""Pipeline reference for scband-spliceosome-model-30666066494039 (READ-ONLY COPY).

The authoritative reference and input builder live on the scoring server;
editing this copy changes nothing except your own understanding.
"""

import jax, jax.numpy as jnp
import numpy as np

B = 8
N_SITES = 2048
N_JUNC = 1024
N_TX = 64
J_PER_TX = 16
D = 256
IN_CH = 2 * D
HID = 512


def setup_inputs(seed: int = 0) -> dict:
    key = jax.random.key(seed)
    ks = jax.random.split(key, 12)
    splice_site_reps = jax.random.normal(ks[0], (B, N_SITES, D), dtype=jnp.float32)
    # junction_indices[b, j] = (donor_site_idx, acceptor_site_idx)
    junction_indices = jax.random.randint(ks[1], (B, N_JUNC, 2), 0, N_SITES, dtype=jnp.int64)
    # each transcript is a ragged list of junction ids; padded dense here
    transcript_junction_ids = jax.random.randint(ks[2], (B, N_TX, J_PER_TX), 0, N_JUNC, dtype=jnp.int64)
    std = 0.02
    W1 = jax.random.normal(ks[3], (IN_CH, HID), dtype=jnp.float32) * std
    b1 = jnp.zeros((HID,), dtype=jnp.float32)
    W2 = jax.random.normal(ks[4], (HID, HID), dtype=jnp.float32) * std
    b2 = jnp.zeros((HID,), dtype=jnp.float32)
    W3 = jax.random.normal(ks[5], (HID, 1), dtype=jnp.float32) * std
    b3 = jnp.zeros((1,), dtype=jnp.float32)
    ref_potential = jnp.zeros((1,), dtype=jnp.float32)
    return {
        "splice_site_reps": splice_site_reps,
        "junction_indices": junction_indices,
        "transcript_junction_ids": transcript_junction_ids,
        "W1": W1, "b1": b1, "W2": W2, "b2": b2, "W3": W3, "b3": b3,
        "ref_potential": ref_potential,
    }


def reference(splice_site_reps, junction_indices, transcript_junction_ids,
              W1, b1, W2, b2, W3, b3, ref_potential):
    # 1) Gather donor/acceptor site reps per unique junction and concat -> junction embeddings
    don_idx = junction_indices[..., 0]  # [B, N_JUNC]
    acc_idx = junction_indices[..., 1]
    don_emb = jnp.take_along_axis(splice_site_reps, don_idx[..., None], axis=1)  # [B, N_JUNC, D]
    acc_emb = jnp.take_along_axis(splice_site_reps, acc_idx[..., None], axis=1)
    junction_embs = jnp.concatenate([don_emb, acc_emb], axis=-1)  # [B, N_JUNC, 2D]
    # 2) SpliceosomeNet MLP -> junction potentials
    h = jnp.maximum(junction_embs @ W1 + b1, 0.0)
    h = jnp.maximum(h @ W2 + b2, 0.0)
    junction_potentials = (h @ W3 + b3)[..., 0]  # [B, N_JUNC]
    # 3) Sum junction potentials per transcript (gather + reduce)
    gathered = jnp.take_along_axis(
        junction_potentials[:, :, None].repeat(1, axis=2),
        transcript_junction_ids.reshape(B, -1)[:, :, None], axis=1)
    gathered = gathered.reshape(B, N_TX, J_PER_TX)
    transcript_potentials = jnp.sum(gathered, axis=-1)  # [B, N_TX]
    # 4) Append ref potential, softmax over transcripts per gene
    ref = jnp.broadcast_to(ref_potential[None, :], (B, 1))
    all_potentials = jnp.concatenate([transcript_potentials, ref], axis=1)  # [B, N_TX+1]
    transcripts_prob = jax.nn.softmax(all_potentials, axis=-1)
    return transcripts_prob

if __name__ == "__main__":
    import jax
    _d = setup_inputs()
    print(jax.jit(kernel)(*tuple(_d.values())))

</pallas_src>

<mosaic_0001>
#map = affine_map<(d0, d1) -> (0, 0)>
#map1 = affine_map<(d0, d1) -> (0, 0, 0)>
module attributes {stable_mosaic.version = 14 : i64} {
  func.func @k(%arg0: i32, %arg1: i32, %arg2: memref<16384x256xf32, #tpu.memory_space<hbm>>, %arg3: memref<32x2x128xi32, #tpu.memory_space<hbm>>, %arg4: memref<8192x256xf32, #tpu.memory_space<hbm>>, %arg5: memref<2x128xi32, #tpu.memory_space<vmem>>, %arg6: memref<128x256xf32, #tpu.memory_space<vmem>>, %arg7: memref<128x256xf32, #tpu.memory_space<vmem>>, %arg8: memref<!tpu.dma_semaphore, #tpu.memory_space<semaphore_mem>>, %arg9: memref<!tpu.dma_semaphore, #tpu.memory_space<semaphore_mem>>) attributes {dimension_semantics = [#tpu.dimension_semantics<core_parallel>, #tpu.dimension_semantics<subcore_parallel>], iteration_bounds = array<i64: 2, 16>, scalar_prefetch = 0 : i64, scratch_operands = 5 : i64, tpu.core_type = #tpu.core_type<sc_vector_subcore>, window_params = [{transform_indices = #map}, {transform_indices = #map1}, {transform_indices = #map}]} {
    %mul3A = arith.constant 2 : i32
    %mul3A_0 = arith.muli %arg1, %mul3A : i32
    %add3A = arith.addi %mul3A_0, %arg0 : i32
    %mul3A_1 = arith.constant 256 : i32
    %mul3A_2 = arith.muli %add3A, %mul3A_1 : i32
    "tpu.region"() ({
      %run_scoped3A = tpu.sem_alloc : memref<!tpu.dma_semaphore, #tpu.memory_space<semaphore_mem>>
      %dma_start3A_33 = arith.constant 0 : i32
      %dma_start3A_34 = arith.constant 0 : i32
      %dma_start3A_35 = tpu.memref_slice %arg3[%add3A, %dma_start3A_33, %dma_start3A_34] : memref<32x2x128xi32, #tpu.memory_space<hbm>> -> memref<1x2x128xi32, #tpu.memory_space<hbm>>
      %dma_start3A_36 = tpu.memref_squeeze %dma_start3A_35 : memref<1x2x128xi32, #tpu.memory_space<hbm>> -> memref<2x128xi32, #tpu.memory_space<hbm>>
      %dma_start3A_37 = arith.constant 0 : i32
      %dma_start3A_38 = arith.constant 0 : i32
      %dma_start3A_39 = tpu.memref_slice %arg3[%add3A, %dma_start3A_37, %dma_start3A_38] : memref<32x2x128xi32, #tpu.memory_space<hbm>> -> memref<1x2x128xi32, #tpu.memory_space<hbm>>
      %dma_start3A_40 = tpu.memref_squeeze %dma_start3A_39 : memref<1x2x128xi32, #tpu.memory_space<hbm>> -> memref<2x128xi32, #tpu.memory_space<hbm>>
      tpu.enqueue_dma source(%dma_start3A_40 : memref<2x128xi32, #tpu.memory_space<hbm>>) target(%arg5 : memref<2x128xi32, #tpu.memory_space<vmem>>) target_semaphore(%run_scoped3A : memref<!tpu.dma_semaphore, #tpu.memory_space<semaphore_mem>>)
      %dma_wait3A_41 = arith.constant 0 : i32
      %dma_wait3A_42 = arith.constant 0 : i32
      %dma_wait3A_43 = tpu.memref_slice %arg3[%add3A, %dma_wait3A_41, %dma_wait3A_42] : memref<32x2x128xi32, #tpu.memory_space<hbm>> -> memref<1x2x128xi32, #tpu.memory_space<hbm>>
      %dma_wait3A_44 = tpu.memref_squeeze %dma_wait3A_43 : memref<1x2x128xi32, #tpu.memory_space<hbm>> -> memref<2x128xi32, #tpu.memory_space<hbm>>
      %dma_wait3A_45 = arith.constant 0 : i32
      %dma_wait3A_46 = arith.constant 0 : i32
      %dma_wait3A_47 = tpu.memref_slice %arg3[%add3A, %dma_wait3A_45, %dma_wait3A_46] : memref<32x2x128xi32, #tpu.memory_space<hbm>> -> memref<1x2x128xi32, #tpu.memory_space<hbm>>
      %dma_wait3A_48 = tpu.memref_squeeze %dma_wait3A_47 : memref<1x2x128xi32, #tpu.memory_space<hbm>> -> memref<2x128xi32, #tpu.memory_space<hbm>>
      tpu.wait_dma2 semaphore(%run_scoped3A : memref<!tpu.dma_semaphore, #tpu.memory_space<semaphore_mem>>) src(%dma_wait3A_48 : memref<2x128xi32, #tpu.memory_space<hbm>>) dst(%arg5 : memref<2x128xi32, #tpu.memory_space<vmem>>)
      tpu.yield
    }) : () -> ()
    %dma_start3A = arith.constant 0 : i32
    %dma_start3A_3 = arith.constant 0 : i32
    %dma_start3A_4 = tpu.memref_slice %arg5[%dma_start3A, %dma_start3A_3] : memref<2x128xi32, #tpu.memory_space<vmem>> -> memref<1x128xi32, #tpu.memory_space<vmem>>
    %dma_start3A_5 = tpu.memref_squeeze %dma_start3A_4 : memref<1x128xi32, #tpu.memory_space<vmem>> -> memref<128xi32, #tpu.memory_space<vmem>>
    %dma_start3A_6 = arith.constant 0 : i32
    %dma_start3A_7 = arith.constant 0 : i32
    %dma_start3A_8 = tpu.memref_slice %arg2[%dma_start3A_6, %dma_start3A_7] : memref<16384x256xf32, #tpu.memory_space<hbm>> -> memref<16384x256xf32, #tpu.memory_space<hbm>>
    tpu.enqueue_indirect_dma source(%dma_start3A_8 : memref<16384x256xf32, #tpu.memory_space<hbm>>) target(%arg6 : memref<128x256xf32, #tpu.memory_space<vmem>>) offsets(%dma_start3A_5 : memref<128xi32, #tpu.memory_space<vmem>>) semaphore(%arg8 : memref<!tpu.dma_semaphore, #tpu.memory_space<semaphore_mem>>)
    %dma_start3A_9 = arith.constant 1 : i32
    %dma_start3A_10 = arith.constant 0 : i32
    %dma_start3A_11 = tpu.memref_slice %arg5[%dma_start3A_9, %dma_start3A_10] : memref<2x128xi32, #tpu.memory_space<vmem>> -> memref<1x128xi32, #tpu.memory_space<vmem>>
    %dma_start3A_12 = tpu.memref_squeeze %dma_start3A_11 : memref<1x128xi32, #tpu.memory_space<vmem>> -> memref<128xi32, #tpu.memory_space<vmem>>
    %dma_start3A_13 = arith.constant 0 : i32
    %dma_start3A_14 = arith.constant 0 : i32
    %dma_start3A_15 = tpu.memref_slice %arg2[%dma_start3A_13, %dma_start3A_14] : memref<16384x256xf32, #tpu.memory_space<hbm>> -> memref<16384x256xf32, #tpu.memory_space<hbm>>
    tpu.enqueue_indirect_dma source(%dma_start3A_15 : memref<16384x256xf32, #tpu.memory_space<hbm>>) target(%arg7 : memref<128x256xf32, #tpu.memory_space<vmem>>) offsets(%dma_start3A_12 : memref<128xi32, #tpu.memory_space<vmem>>) semaphore(%arg9 : memref<!tpu.dma_semaphore, #tpu.memory_space<semaphore_mem>>)
    %dma_wait3A = arith.constant 0 : i32
    %dma_wait3A_16 = arith.constant 0 : i32
    %dma_wait3A_17 = tpu.memref_slice %arg5[%dma_wait3A, %dma_wait3A_16] : memref<2x128xi32, #tpu.memory_space<vmem>> -> memref<1x128xi32, #tpu.memory_space<vmem>>
    %dma_wait3A_18 = tpu.memref_squeeze %dma_wait3A_17 : memref<1x128xi32, #tpu.memory_space<vmem>> -> memref<128xi32, #tpu.memory_space<vmem>>
    %dma_wait3A_19 = arith.constant 0 : i32
    %dma_wait3A_20 = arith.constant 0 : i32
    %dma_wait3A_21 = tpu.memref_slice %arg2[%dma_wait3A_19, %dma_wait3A_20] : memref<16384x256xf32, #tpu.memory_space<hbm>> -> memref<16384x256xf32, #tpu.memory_space<hbm>>
    tpu.wait_indirect_dma semaphore(%arg8 : memref<!tpu.dma_semaphore, #tpu.memory_space<semaphore_mem>>) src(%dma_wait3A_21 : memref<16384x256xf32, #tpu.memory_space<hbm>>) dst(%arg6 : memref<128x256xf32, #tpu.memory_space<vmem>>)
    %add3A_22 = arith.constant 0 : i32
    %add3A_23 = arith.addi %mul3A_2, %add3A_22 : i32
    "tpu.region"() ({
      %run_scoped3A = tpu.sem_alloc : memref<!tpu.dma_semaphore, #tpu.memory_space<semaphore_mem>>
      %dma_start3A_33 = arith.constant 0 : i32
      %dma_start3A_34 = tpu.memref_slice %arg4[%add3A_23, %dma_start3A_33] : memref<8192x256xf32, #tpu.memory_space<hbm>> -> memref<128x256xf32, #tpu.memory_space<hbm>>
      %dma_start3A_35 = arith.constant 0 : i32
      %dma_start3A_36 = tpu.memref_slice %arg4[%add3A_23, %dma_start3A_35] : memref<8192x256xf32, #tpu.memory_space<hbm>> -> memref<128x256xf32, #tpu.memory_space<hbm>>
      tpu.enqueue_dma source(%arg6 : memref<128x256xf32, #tpu.memory_space<vmem>>) target(%dma_start3A_36 : memref<128x256xf32, #tpu.memory_space<hbm>>) target_semaphore(%run_scoped3A : memref<!tpu.dma_semaphore, #tpu.memory_space<semaphore_mem>>)
      %dma_wait3A_37 = arith.constant 0 : i32
      %dma_wait3A_38 = tpu.memref_slice %arg4[%add3A_23, %dma_wait3A_37] : memref<8192x256xf32, #tpu.memory_space<hbm>> -> memref<128x256xf32, #tpu.memory_space<hbm>>
      %dma_wait3A_39 = arith.constant 0 : i32
      %dma_wait3A_40 = tpu.memref_slice %arg4[%add3A_23, %dma_wait3A_39] : memref<8192x256xf32, #tpu.memory_space<hbm>> -> memref<128x256xf32, #tpu.memory_space<hbm>>
      tpu.wait_dma2 semaphore(%run_scoped3A : memref<!tpu.dma_semaphore, #tpu.memory_space<semaphore_mem>>) src(%arg6 : memref<128x256xf32, #tpu.memory_space<vmem>>) dst(%dma_wait3A_40 : memref<128x256xf32, #tpu.memory_space<hbm>>)
      tpu.yield
    }) : () -> ()
    %dma_wait3A_24 = arith.constant 1 : i32
    %dma_wait3A_25 = arith.constant 0 : i32
    %dma_wait3A_26 = tpu.memref_slice %arg5[%dma_wait3A_24, %dma_wait3A_25] : memref<2x128xi32, #tpu.memory_space<vmem>> -> memref<1x128xi32, #tpu.memory_space<vmem>>
    %dma_wait3A_27 = tpu.memref_squeeze %dma_wait3A_26 : memref<1x128xi32, #tpu.memory_space<vmem>> -> memref<128xi32, #tpu.memory_space<vmem>>
    %dma_wait3A_28 = arith.constant 0 : i32
    %dma_wait3A_29 = arith.constant 0 : i32
    %dma_wait3A_30 = tpu.memref_slice %arg2[%dma_wait3A_28, %dma_wait3A_29] : memref<16384x256xf32, #tpu.memory_space<hbm>> -> memref<16384x256xf32, #tpu.memory_space<hbm>>
    tpu.wait_indirect_dma semaphore(%arg9 : memref<!tpu.dma_semaphore, #tpu.memory_space<semaphore_mem>>) src(%dma_wait3A_30 : memref<16384x256xf32, #tpu.memory_space<hbm>>) dst(%arg7 : memref<128x256xf32, #tpu.memory_space<vmem>>)
    %add3A_31 = arith.constant 128 : i32
    %add3A_32 = arith.addi %mul3A_2, %add3A_31 : i32
    "tpu.region"() ({
      %run_scoped3A = tpu.sem_alloc : memref<!tpu.dma_semaphore, #tpu.memory_space<semaphore_mem>>
      %dma_start3A_33 = arith.constant 0 : i32
      %dma_start3A_34 = tpu.memref_slice %arg4[%add3A_32, %dma_start3A_33] : memref<8192x256xf32, #tpu.memory_space<hbm>> -> memref<128x256xf32, #tpu.memory_space<hbm>>
      %dma_start3A_35 = arith.constant 0 : i32
      %dma_start3A_36 = tpu.memref_slice %arg4[%add3A_32, %dma_start3A_35] : memref<8192x256xf32, #tpu.memory_space<hbm>> -> memref<128x256xf32, #tpu.memory_space<hbm>>
      tpu.enqueue_dma source(%arg7 : memref<128x256xf32, #tpu.memory_space<vmem>>) target(%dma_start3A_36 : memref<128x256xf32, #tpu.memory_space<hbm>>) target_semaphore(%run_scoped3A : memref<!tpu.dma_semaphore, #tpu.memory_space<semaphore_mem>>)
      %dma_wait3A_37 = arith.constant 0 : i32
      %dma_wait3A_38 = tpu.memref_slice %arg4[%add3A_32, %dma_wait3A_37] : memref<8192x256xf32, #tpu.memory_space<hbm>> -> memref<128x256xf32, #tpu.memory_space<hbm>>
      %dma_wait3A_39 = arith.constant 0 : i32
      %dma_wait3A_40 = tpu.memref_slice %arg4[%add3A_32, %dma_wait3A_39] : memref<8192x256xf32, #tpu.memory_space<hbm>> -> memref<128x256xf32, #tpu.memory_space<hbm>>
      tpu.wait_dma2 semaphore(%run_scoped3A : memref<!tpu.dma_semaphore, #tpu.memory_space<semaphore_mem>>) src(%arg7 : memref<128x256xf32, #tpu.memory_space<vmem>>) dst(%dma_wait3A_40 : memref<128x256xf32, #tpu.memory_space<hbm>>)
      tpu.yield
    }) : () -> ()
    return
  }
}

#map = affine_map<(d0, d1) -> (0, 0)>
#map1 = affine_map<(d0, d1) -> (0, 0, 0)>
module attributes {stable_mosaic.version = 14 : i64} {
  func.func @k(%arg0: i32, %arg1: i32, %arg2: memref<16384x256xf32, #tpu.memory_space<hbm>>, %arg3: memref<32x2x128xi32, #tpu.memory_space<hbm>>, %arg4: memref<8192x256xf32, #tpu.memory_space<hbm>>, %arg5: memref<2x128xi32, #tpu.memory_space<vmem>>, %arg6: memref<128x256xf32, #tpu.memory_space<vmem>>, %arg7: memref<128x256xf32, #tpu.memory_space<vmem>>, %arg8: memref<!tpu.dma_semaphore, #tpu.memory_space<semaphore_mem>>, %arg9: memref<!tpu.dma_semaphore, #tpu.memory_space<semaphore_mem>>) attributes {dimension_semantics = [#tpu.dimension_semantics<core_parallel>, #tpu.dimension_semantics<subcore_parallel>], iteration_bounds = array<i64: 2, 16>, scalar_prefetch = 0 : i64, scratch_operands = 5 : i64, tpu.core_type = #tpu.core_type<sc_vector_subcore>, window_params = [{transform_indices = #map}, {transform_indices = #map1}, {transform_indices = #map}]} {
    %mul3A = arith.constant 2 : i32
    %mul3A_0 = arith.muli %arg1, %mul3A : i32
    %add3A = arith.addi %mul3A_0, %arg0 : i32
    %mul3A_1 = arith.constant 256 : i32
    %mul3A_2 = arith.muli %add3A, %mul3A_1 : i32
    "tpu.region"() ({
      %run_scoped3A = tpu.sem_alloc : memref<!tpu.dma_semaphore, #tpu.memory_space<semaphore_mem>>
      %dma_start3A_33 = arith.constant 0 : i32
      %dma_start3A_34 = arith.constant 0 : i32
      %dma_start3A_35 = tpu.memref_slice %arg3[%add3A, %dma_start3A_33, %dma_start3A_34] : memref<32x2x128xi32, #tpu.memory_space<hbm>> -> memref<1x2x128xi32, #tpu.memory_space<hbm>>
      %dma_start3A_36 = tpu.memref_squeeze %dma_start3A_35 : memref<1x2x128xi32, #tpu.memory_space<hbm>> -> memref<2x128xi32, #tpu.memory_space<hbm>>
      %dma_start3A_37 = arith.constant 0 : i32
      %dma_start3A_38 = arith.constant 0 : i32
      %dma_start3A_39 = tpu.memref_slice %arg3[%add3A, %dma_start3A_37, %dma_start3A_38] : memref<32x2x128xi32, #tpu.memory_space<hbm>> -> memref<1x2x128xi32, #tpu.memory_space<hbm>>
      %dma_start3A_40 = tpu.memref_squeeze %dma_start3A_39 : memref<1x2x128xi32, #tpu.memory_space<hbm>> -> memref<2x128xi32, #tpu.memory_space<hbm>>
      tpu.enqueue_dma source(%dma_start3A_40 : memref<2x128xi32, #tpu.memory_space<hbm>>) target(%arg5 : memref<2x128xi32, #tpu.memory_space<vmem>>) target_semaphore(%run_scoped3A : memref<!tpu.dma_semaphore, #tpu.memory_space<semaphore_mem>>)
      %dma_wait3A_41 = arith.constant 0 : i32
      %dma_wait3A_42 = arith.constant 0 : i32
      %dma_wait3A_43 = tpu.memref_slice %arg3[%add3A, %dma_wait3A_41, %dma_wait3A_42] : memref<32x2x128xi32, #tpu.memory_space<hbm>> -> memref<1x2x128xi32, #tpu.memory_space<hbm>>
      %dma_wait3A_44 = tpu.memref_squeeze %dma_wait3A_43 : memref<1x2x128xi32, #tpu.memory_space<hbm>> -> memref<2x128xi32, #tpu.memory_space<hbm>>
      %dma_wait3A_45 = arith.constant 0 : i32
      %dma_wait3A_46 = arith.constant 0 : i32
      %dma_wait3A_47 = tpu.memref_slice %arg3[%add3A, %dma_wait3A_45, %dma_wait3A_46] : memref<32x2x128xi32, #tpu.memory_space<hbm>> -> memref<1x2x128xi32, #tpu.memory_space<hbm>>
      %dma_wait3A_48 = tpu.memref_squeeze %dma_wait3A_47 : memref<1x2x128xi32, #tpu.memory_space<hbm>> -> memref<2x128xi32, #tpu.memory_space<hbm>>
      tpu.wait_dma2 semaphore(%run_scoped3A : memref<!tpu.dma_semaphore, #tpu.memory_space<semaphore_mem>>) src(%dma_wait3A_48 : memref<2x128xi32, #tpu.memory_space<hbm>>) dst(%arg5 : memref<2x128xi32, #tpu.memory_space<vmem>>)
      tpu.yield
    }) : () -> ()
    %dma_start3A = arith.constant 0 : i32
    %dma_start3A_3 = arith.constant 0 : i32
    %dma_start3A_4 = tpu.memref_slice %arg5[%dma_start3A, %dma_start3A_3] : memref<2x128xi32, #tpu.memory_space<vmem>> -> memref<1x128xi32, #tpu.memory_space<vmem>>
    %dma_start3A_5 = tpu.memref_squeeze %dma_start3A_4 : memref<1x128xi32, #tpu.memory_space<vmem>> -> memref<128xi32, #tpu.memory_space<vmem>>
    %dma_start3A_6 = arith.constant 0 : i32
    %dma_start3A_7 = arith.constant 0 : i32
    %dma_start3A_8 = tpu.memref_slice %arg2[%dma_start3A_6, %dma_start3A_7] : memref<16384x256xf32, #tpu.memory_space<hbm>> -> memref<16384x256xf32, #tpu.memory_space<hbm>>
    tpu.enqueue_indirect_dma source(%dma_start3A_8 : memref<16384x256xf32, #tpu.memory_space<hbm>>) target(%arg6 : memref<128x256xf32, #tpu.memory_space<vmem>>) offsets(%dma_start3A_5 : memref<128xi32, #tpu.memory_space<vmem>>) semaphore(%arg8 : memref<!tpu.dma_semaphore, #tpu.memory_space<semaphore_mem>>)
    %dma_start3A_9 = arith.constant 1 : i32
    %dma_start3A_10 = arith.constant 0 : i32
    %dma_start3A_11 = tpu.memref_slice %arg5[%dma_start3A_9, %dma_start3A_10] : memref<2x128xi32, #tpu.memory_space<vmem>> -> memref<1x128xi32, #tpu.memory_space<vmem>>
    %dma_start3A_12 = tpu.memref_squeeze %dma_start3A_11 : memref<1x128xi32, #tpu.memory_space<vmem>> -> memref<128xi32, #tpu.memory_space<vmem>>
    %dma_start3A_13 = arith.constant 0 : i32
    %dma_start3A_14 = arith.constant 0 : i32
    %dma_start3A_15 = tpu.memref_slice %arg2[%dma_start3A_13, %dma_start3A_14] : memref<16384x256xf32, #tpu.memory_space<hbm>> -> memref<16384x256xf32, #tpu.memory_space<hbm>>
    tpu.enqueue_indirect_dma source(%dma_start3A_15 : memref<16384x256xf32, #tpu.memory_space<hbm>>) target(%arg7 : memref<128x256xf32, #tpu.memory_space<vmem>>) offsets(%dma_start3A_12 : memref<128xi32, #tpu.memory_space<vmem>>) semaphore(%arg9 : memref<!tpu.dma_semaphore, #tpu.memory_space<semaphore_mem>>)
    %dma_wait3A = arith.constant 0 : i32
    %dma_wait3A_16 = arith.constant 0 : i32
    %dma_wait3A_17 = tpu.memref_slice %arg5[%dma_wait3A, %dma_wait3A_16] : memref<2x128xi32, #tpu.memory_space<vmem>> -> memref<1x128xi32, #tpu.memory_space<vmem>>
    %dma_wait3A_18 = tpu.memref_squeeze %dma_wait3A_17 : memref<1x128xi32, #tpu.memory_space<vmem>> -> memref<128xi32, #tpu.memory_space<vmem>>
    %dma_wait3A_19 = arith.constant 0 : i32
    %dma_wait3A_20 = arith.constant 0 : i32
    %dma_wait3A_21 = tpu.memref_slice %arg2[%dma_wait3A_19, %dma_wait3A_20] : memref<16384x256xf32, #tpu.memory_space<hbm>> -> memref<16384x256xf32, #tpu.memory_space<hbm>>
    tpu.wait_indirect_dma semaphore(%arg8 : memref<!tpu.dma_semaphore, #tpu.memory_space<semaphore_mem>>) src(%dma_wait3A_21 : memref<16384x256xf32, #tpu.memory_space<hbm>>) dst(%arg6 : memref<128x256xf32, #tpu.memory_space<vmem>>)
    %add3A_22 = arith.constant 0 : i32
    %add3A_23 = arith.addi %mul3A_2, %add3A_22 : i32
    "tpu.region"() ({
      %run_scoped3A = tpu.sem_alloc : memref<!tpu.dma_semaphore, #tpu.memory_space<semaphore_mem>>
      %dma_start3A_33 = arith.constant 0 : i32
      %dma_start3A_34 = tpu.memref_slice %arg4[%add3A_23, %dma_start3A_33] : memref<8192x256xf32, #tpu.memory_space<hbm>> -> memref<128x256xf32, #tpu.memory_space<hbm>>
      %dma_start3A_35 = arith.constant 0 : i32
      %dma_start3A_36 = tpu.memref_slice %arg4[%add3A_23, %dma_start3A_35] : memref<8192x256xf32, #tpu.memory_space<hbm>> -> memref<128x256xf32, #tpu.memory_space<hbm>>
      tpu.enqueue_dma source(%arg6 : memref<128x256xf32, #tpu.memory_space<vmem>>) target(%dma_start3A_36 : memref<128x256xf32, #tpu.memory_space<hbm>>) target_semaphore(%run_scoped3A : memref<!tpu.dma_semaphore, #tpu.memory_space<semaphore_mem>>)
      %dma_wait3A_37 = arith.constant 0 : i32
      %dma_wait3A_38 = tpu.memref_slice %arg4[%add3A_23, %dma_wait3A_37] : memref<8192x256xf32, #tpu.memory_space<hbm>> -> memref<128x256xf32, #tpu.memory_space<hbm>>
      %dma_wait3A_39 = arith.constant 0 : i32
      %dma_wait3A_40 = tpu.memref_slice %arg4[%add3A_23, %dma_wait3A_39] : memref<8192x256xf32, #tpu.memory_space<hbm>> -> memref<128x256xf32, #tpu.memory_space<hbm>>
      tpu.wait_dma2 semaphore(%run_scoped3A : memref<!tpu.dma_semaphore, #tpu.memory_space<semaphore_mem>>) src(%arg6 : memref<128x256xf32, #tpu.memory_space<vmem>>) dst(%dma_wait3A_40 : memref<128x256xf32, #tpu.memory_space<hbm>>)
      tpu.yield
    }) : () -> ()
    %dma_wait3A_24 = arith.constant 1 : i32
    %dma_wait3A_25 = arith.constant 0 : i32
    %dma_wait3A_26 = tpu.memref_slice %arg5[%dma_wait3A_24, %dma_wait3A_25] : memref<2x128xi32, #tpu.memory_space<vmem>> -> memref<1x128xi32, #tpu.memory_space<vmem>>
    %dma_wait3A_27 = tpu.memref_squeeze %dma_wait3A_26 : memref<1x128xi32, #tpu.memory_space<vmem>> -> memref<128xi32, #tpu.memory_space<vmem>>
    %dma_wait3A_28 = arith.constant 0 : i32
    %dma_wait3A_29 = arith.constant 0 : i32
    %dma_wait3A_30 = tpu.memref_slice %arg2[%dma_wait3A_28, %dma_wait3A_29] : memref<16384x256xf32, #tpu.memory_space<hbm>> -> memref<16384x256xf32, #tpu.memory_space<hbm>>
    tpu.wait_indirect_dma semaphore(%arg9 : memref<!tpu.dma_semaphore, #tpu.memory_space<semaphore_mem>>) src(%dma_wait3A_30 : memref<16384x256xf32, #tpu.memory_space<hbm>>) dst(%arg7 : memref<128x256xf32, #tpu.memory_space<vmem>>)
    %add3A_31 = arith.constant 128 : i32
    %add3A_32 = arith.addi %mul3A_2, %add3A_31 : i32
    "tpu.region"() ({
      %run_scoped3A = tpu.sem_alloc : memref<!tpu.dma_semaphore, #tpu.memory_space<semaphore_mem>>
      %dma_start3A_33 = arith.constant 0 : i32
      %dma_start3A_34 = tpu.memref_slice %arg4[%add3A_32, %dma_start3A_33] : memref<8192x256xf32, #tpu.memory_space<hbm>> -> memref<128x256xf32, #tpu.memory_space<hbm>>
      %dma_start3A_35 = arith.constant 0 : i32
      %dma_start3A_36 = tpu.memref_slice %arg4[%add3A_32, %dma_start3A_35] : memref<8192x256xf32, #tpu.memory_space<hbm>> -> memref<128x256xf32, #tpu.memory_space<hbm>>
      tpu.enqueue_dma source(%arg7 : memref<128x256xf32, #tpu.memory_space<vmem>>) target(%dma_start3A_36 : memref<128x256xf32, #tpu.memory_space<hbm>>) target_semaphore(%run_scoped3A : memref<!tpu.dma_semaphore, #tpu.memory_space<semaphore_mem>>)
      %dma_wait3A_37 = arith.constant 0 : i32
      %dma_wait3A_38 = tpu.memref_slice %arg4[%add3A_32, %dma_wait3A_37] : memref<8192x256xf32, #tpu.memory_space<hbm>> -> memref<128x256xf32, #tpu.memory_space<hbm>>
      %dma_wait3A_39 = arith.constant 0 : i32
      %dma_wait3A_40 = tpu.memref_slice %arg4[%add3A_32, %dma_wait3A_39] : memref<8192x256xf32, #tpu.memory_space<hbm>> -> memref<128x256xf32, #tpu.memory_space<hbm>>
      tpu.wait_dma2 semaphore(%run_scoped3A : memref<!tpu.dma_semaphore, #tpu.memory_space<semaphore_mem>>) src(%arg7 : memref<128x256xf32, #tpu.memory_space<vmem>>) dst(%dma_wait3A_40 : memref<128x256xf32, #tpu.memory_space<hbm>>)
      tpu.yield
    }) : () -> ()
    return
  }
}

module attributes {stable_mosaic.version = 14 : i64} {
  func.func @_tc_body(%arg0: i32, %arg1: memref<1024x256xf32, #tpu.memory_space<vmem>>, %arg2: memref<1024x256xf32, #tpu.memory_space<vmem>>, %arg3: memref<256x512xbf16, #tpu.memory_space<vmem>>, %arg4: memref<256x512xbf16, #tpu.memory_space<vmem>>, %arg5: memref<1x512xf32, #tpu.memory_space<vmem>>, %arg6: memref<512x512xbf16, #tpu.memory_space<vmem>>, %arg7: memref<1x512xf32, #tpu.memory_space<vmem>>, %arg8: memref<512x128xbf16, #tpu.memory_space<vmem>>, %arg9: memref<1x64x128xi32, #tpu.memory_space<vmem>>, %arg10: memref<1x2xf32, #tpu.memory_space<smem>>, %arg11: memref<1x72x128xf32, #tpu.memory_space<vmem>>) attributes {dimension_semantics = [#tpu.dimension_semantics<arbitrary>], iteration_bounds = array<i64: 4>, scalar_prefetch = 0 : i64, scratch_operands = 0 : i64, tpu.core_type = #tpu.core_type<tc>, window_params = [{transform_indices = @transform_0, window_bounds = array<i64: 1024, 256>}, {transform_indices = @transform_1, window_bounds = array<i64: 1024, 256>}, {pipeline_mode = #tpu.pipeline_mode<synchronous>, transform_indices = @transform_2, window_bounds = array<i64: 256, 512>}, {pipeline_mode = #tpu.pipeline_mode<synchronous>, transform_indices = @transform_3, window_bounds = array<i64: 256, 512>}, {pipeline_mode = #tpu.pipeline_mode<synchronous>, transform_indices = @transform_4, window_bounds = array<i64: 1, 512>}, {pipeline_mode = #tpu.pipeline_mode<synchronous>, transform_indices = @transform_5, window_bounds = array<i64: 512, 512>}, {pipeline_mode = #tpu.pipeline_mode<synchronous>, transform_indices = @transform_6, window_bounds = array<i64: 1, 512>}, {pipeline_mode = #tpu.pipeline_mode<synchronous>, transform_indices = @transform_7, window_bounds = array<i64: 512, 128>}, {transform_indices = @transform_8, window_bounds = array<i64: 1, 64, 128>}, {transform_indices = @transform_9, window_bounds = array<i64: 1, 2>}, {transform_indices = @transform_10, window_bounds = array<i64: 1, 72, 128>}]} {
    %get3A = arith.constant 0 : index
    %get3A_0 = arith.constant 0 : index
    %get3A_1 = vector.load %arg1[%get3A, %get3A_0] : memref<1024x256xf32, #tpu.memory_space<vmem>>, vector<1024x256xf32>
    %convert_element_type3A = arith.truncf %get3A_1 : vector<1024x256xf32> to vector<1024x256xbf16>
    %get3A_2 = arith.constant 0 : index
    %get3A_3 = arith.constant 0 : index
    %get3A_4 = vector.load %arg2[%get3A_2, %get3A_3] : memref<1024x256xf32, #tpu.memory_space<vmem>>, vector<1024x256xf32>
    %convert_element_type3A_5 = arith.truncf %get3A_4 : vector<1024x256xf32> to vector<1024x256xbf16>
    %get3A_6 = arith.constant 0 : index
    %get3A_7 = arith.constant 0 : index
    %get3A_8 = vector.load %arg3[%get3A_6, %get3A_7] : memref<256x512xbf16, #tpu.memory_space<vmem>>, vector<256x512xbf16>
    %dot_general3A = arith.constant dense<0.000000e+00> : vector<1024x512xf32>
    %dot_general3A_9 = tpu.matmul %convert_element_type3A, %get3A_8, %dot_general3A {dimension_numbers = #tpu.dot_dimension_numbers<[1], [0], [0], [1], [0, 0, 1, 1], [], []>, transpose_lhs_hint = false} : vector<1024x256xbf16>, vector<256x512xbf16>, vector<1024x512xf32> -> vector<1024x512xf32>
    %get3A_10 = arith.constant 0 : index
    %get3A_11 = arith.constant 0 : index
    %get3A_12 = vector.load %arg4[%get3A_10, %get3A_11] : memref<256x512xbf16, #tpu.memory_space<vmem>>, vector<256x512xbf16>
    %dot_general3A_13 = arith.constant dense<0.000000e+00> : vector<1024x512xf32>
    %dot_general3A_14 = tpu.matmul %convert_element_type3A_5, %get3A_12, %dot_general3A_13 {dimension_numbers = #tpu.dot_dimension_numbers<[1], [0], [0], [1], [0, 0, 1, 1], [], []>, transpose_lhs_hint = false} : vector<1024x256xbf16>, vector<256x512xbf16>, vector<1024x512xf32> -> vector<1024x512xf32>
    %add3A = arith.addf %dot_general3A_9, %dot_general3A_14 : vector<1024x512xf32>
    %get3A_15 = arith.constant 0 : index
    %get3A_16 = arith.constant 0 : index
    %get3A_17 = vector.load %arg5[%get3A_15, %get3A_16] : memref<1x512xf32, #tpu.memory_space<vmem>>, vector<1x512xf32>
    %add3A_18 = vector.broadcast %get3A_17 : vector<1x512xf32> to vector<1024x512xf32>
    %add3A_19 = arith.addf %add3A, %add3A_18 : vector<1024x512xf32>
    %max3A = arith.constant 0.000000e+00 : f32
    %max3A_20 = vector.broadcast %max3A : f32 to vector<1024x512xf32>
    %max3A_21 = arith.maximumf %add3A_19, %max3A_20 : vector<1024x512xf32>
    %convert_element_type3A_22 = arith.truncf %max3A_21 : vector<1024x512xf32> to vector<1024x512xbf16>
    %get3A_23 = arith.constant 0 : index
    %get3A_24 = arith.constant 0 : index
    %get3A_25 = vector.load %arg6[%get3A_23, %get3A_24] : memref<512x512xbf16, #tpu.memory_space<vmem>>, vector<512x512xbf16>
    %dot_general3A_26 = arith.constant dense<0.000000e+00> : vector<1024x512xf32>
    %dot_general3A_27 = tpu.matmul %convert_element_type3A_22, %get3A_25, %dot_general3A_26 {dimension_numbers = #tpu.dot_dimension_numbers<[1], [0], [0], [1], [0, 0, 1, 1], [], []>, transpose_lhs_hint = false} : vector<1024x512xbf16>, vector<512x512xbf16>, vector<1024x512xf32> -> vector<1024x512xf32>
    %get3A_28 = arith.constant 0 : index
    %get3A_29 = arith.constant 0 : index
    %get3A_30 = vector.load %arg7[%get3A_28, %get3A_29] : memref<1x512xf32, #tpu.memory_space<vmem>>, vector<1x512xf32>
    %add3A_31 = vector.broadcast %get3A_30 : vector<1x512xf32> to vector<1024x512xf32>
    %add3A_32 = arith.addf %dot_general3A_27, %add3A_31 : vector<1024x512xf32>
    %max3A_33 = arith.constant 0.000000e+00 : f32
    %max3A_34 = vector.broadcast %max3A_33 : f32 to vector<1024x512xf32>
    %max3A_35 = arith.maximumf %add3A_32, %max3A_34 : vector<1024x512xf32>
    %convert_element_type3A_36 = arith.truncf %max3A_35 : vector<1024x512xf32> to vector<1024x512xbf16>
    %get3A_37 = arith.constant 0 : index
    %get3A_38 = arith.constant 0 : index
    %get3A_39 = arith.constant 0 : index
    %get3A_40 = vector.load %arg9[%get3A_37, %get3A_38, %get3A_39] : memref<1x64x128xi32, #tpu.memory_space<vmem>>, vector<1x64x128xi32>
    %get3A_41 = vector.shape_cast %get3A_40 : vector<1x64x128xi32> to vector<64x128xi32>
    %iota3A = tpu.iota {dimensions = array<i32: 1>} : vector<64x1024xi32>
    %broadcast_in_dim3A = arith.constant 0.000000e+00 : f32
    %broadcast_in_dim3A_42 = vector.broadcast %broadcast_in_dim3A : f32 to vector<64x1024xf32>
    %slice3A = vector.extract_strided_slice %get3A_41 {offsets = [0, 0], sizes = [64, 1], strides = [1, 1]} : vector<64x128xi32> to vector<64x1xi32>
    %eq3A = vector.broadcast %slice3A : vector<64x1xi32> to vector<64x1024xi32>
    %eq3A_43 = arith.cmpi eq, %eq3A, %iota3A : vector<64x1024xi32>
    %convert_element_type3A_44 = arith.extui %eq3A_43 : vector<64x1024xi1> to vector<64x1024xi32>
    %convert_element_type3A_45 = arith.sitofp %convert_element_type3A_44 : vector<64x1024xi32> to vector<64x1024xf32>
    %add3A_46 = arith.addf %broadcast_in_dim3A_42, %convert_element_type3A_45 : vector<64x1024xf32>
    %slice3A_47 = vector.extract_strided_slice %get3A_41 {offsets = [0, 1], sizes = [64, 1], strides = [1, 1]} : vector<64x128xi32> to vector<64x1xi32>
    %eq3A_48 = vector.broadcast %slice3A_47 : vector<64x1xi32> to vector<64x1024xi32>
    %eq3A_49 = arith.cmpi eq, %eq3A_48, %iota3A : vector<64x1024xi32>
    %convert_element_type3A_50 = arith.extui %eq3A_49 : vector<64x1024xi1> to vector<64x1024xi32>
    %convert_element_type3A_51 = arith.sitofp %convert_element_type3A_50 : vector<64x1024xi32> to vector<64x1024xf32>
    %add3A_52 = arith.addf %add3A_46, %convert_element_type3A_51 : vector<64x1024xf32>
    %slice3A_53 = vector.extract_strided_slice %get3A_41 {offsets = [0, 2], sizes = [64, 1], strides = [1, 1]} : vector<64x128xi32> to vector<64x1xi32>
    %eq3A_54 = vector.broadcast %slice3A_53 : vector<64x1xi32> to vector<64x1024xi32>
    %eq3A_55 = arith.cmpi eq, %eq3A_54, %iota3A : vector<64x1024xi32>
    %convert_element_type3A_56 = arith.extui %eq3A_55 : vector<64x1024xi1> to vector<64x1024xi32>
    %convert_element_type3A_57 = arith.sitofp %convert_element_type3A_56 : vector<64x1024xi32> to vector<64x1024xf32>
    %add3A_58 = arith.addf %add3A_52, %convert_element_type3A_57 : vector<64x1024xf32>
    %slice3A_59 = vector.extract_strided_slice %get3A_41 {offsets = [0, 3], sizes = [64, 1], strides = [1, 1]} : vector<64x128xi32> to vector<64x1xi32>
    %eq3A_60 = vector.broadcast %slice3A_59 : vector<64x1xi32> to vector<64x1024xi32>
    %eq3A_61 = arith.cmpi eq, %eq3A_60, %iota3A : vector<64x1024xi32>
    %convert_element_type3A_62 = arith.extui %eq3A_61 : vector<64x1024xi1> to vector<64x1024xi32>
    %convert_element_type3A_63 = arith.sitofp %convert_element_type3A_62 : vector<64x1024xi32> to vector<64x1024xf32>
    %add3A_64 = arith.addf %add3A_58, %convert_element_type3A_63 : vector<64x1024xf32>
    %slice3A_65 = vector.extract_strided_slice %get3A_41 {offsets = [0, 4], sizes = [64, 1], strides = [1, 1]} : vector<64x128xi32> to vector<64x1xi32>
    %eq3A_66 = vector.broadcast %slice3A_65 : vector<64x1xi32> to vector<64x1024xi32>
    %eq3A_67 = arith.cmpi eq, %eq3A_66, %iota3A : vector<64x1024xi32>
    %convert_element_type3A_68 = arith.extui %eq3A_67 : vector<64x1024xi1> to vector<64x1024xi32>
    %convert_element_type3A_69 = arith.sitofp %convert_element_type3A_68 : vector<64x1024xi32> to vector<64x1024xf32>
    %add3A_70 = arith.addf %add3A_64, %convert_element_type3A_69 : vector<64x1024xf32>
    %slice3A_71 = vector.extract_strided_slice %get3A_41 {offsets = [0, 5], sizes = [64, 1], strides = [1, 1]} : vector<64x128xi32> to vector<64x1xi32>
    %eq3A_72 = vector.broadcast %slice3A_71 : vector<64x1xi32> to vector<64x1024xi32>
    %eq3A_73 = arith.cmpi eq, %eq3A_72, %iota3A : vector<64x1024xi32>
    %convert_element_type3A_74 = arith.extui %eq3A_73 : vector<64x1024xi1> to vector<64x1024xi32>
    %convert_element_type3A_75 = arith.sitofp %convert_element_type3A_74 : vector<64x1024xi32> to vector<64x1024xf32>
    %add3A_76 = arith.addf %add3A_70, %convert_element_type3A_75 : vector<64x1024xf32>
    %slice3A_77 = vector.extract_strided_slice %get3A_41 {offsets = [0, 6], sizes = [64, 1], strides = [1, 1]} : vector<64x128xi32> to vector<64x1xi32>
    %eq3A_78 = vector.broadcast %slice3A_77 : vector<64x1xi32> to vector<64x1024xi32>
    %eq3A_79 = arith.cmpi eq, %eq3A_78, %iota3A : vector<64x1024xi32>
    %convert_element_type3A_80 = arith.extui %eq3A_79 : vector<64x1024xi1> to vector<64x1024xi32>
    %convert_element_type3A_81 = arith.sitofp %convert_element_type3A_80 : vector<64x1024xi32> to vector<64x1024xf32>
    %add3A_82 = arith.addf %add3A_76, %convert_element_type3A_81 : vector<64x1024xf32>
    %slice3A_83 = vector.extract_strided_slice %get3A_41 {offsets = [0, 7], sizes = [64, 1], strides = [1, 1]} : vector<64x128xi32> to vector<64x1xi32>
    %eq3A_84 = vector.broadcast %slice3A_83 : vector<64x1xi32> to vector<64x1024xi32>
    %eq3A_85 = arith.cmpi eq, %eq3A_84, %iota3A : vector<64x1024xi32>
    %convert_element_type3A_86 = arith.extui %eq3A_85 : vector<64x1024xi1> to vector<64x1024xi32>
    %convert_element_type3A_87 = arith.sitofp %convert_element_type3A_86 : vector<64x1024xi32> to vector<64x1024xf32>
    %add3A_88 = arith.addf %add3A_82, %convert_element_type3A_87 : vector<64x1024xf32>
    %slice3A_89 = vector.extract_strided_slice %get3A_41 {offsets = [0, 8], sizes = [64, 1], strides = [1, 1]} : vector<64x128xi32> to vector<64x1xi32>
    %eq3A_90 = vector.broadcast %slice3A_89 : vector<64x1xi32> to vector<64x1024xi32>
    %eq3A_91 = arith.cmpi eq, %eq3A_90, %iota3A : vector<64x1024xi32>
    %convert_element_type3A_92 = arith.extui %eq3A_91 : vector<64x1024xi1> to vector<64x1024xi32>
    %convert_element_type3A_93 = arith.sitofp %convert_element_type3A_92 : vector<64x1024xi32> to vector<64x1024xf32>
    %add3A_94 = arith.addf %add3A_88, %convert_element_type3A_93 : vector<64x1024xf32>
    %slice3A_95 = vector.extract_strided_slice %get3A_41 {offsets = [0, 9], sizes = [64, 1], strides = [1, 1]} : vector<64x128xi32> to vector<64x1xi32>
    %eq3A_96 = vector.broadcast %slice3A_95 : vector<64x1xi32> to vector<64x1024xi32>
    %eq3A_97 = arith.cmpi eq, %eq3A_96, %iota3A : vector<64x1024xi32>
    %convert_element_type3A_98 = arith.extui %eq3A_97 : vector<64x1024xi1> to vector<64x1024xi32>
    %convert_element_type3A_99 = arith.sitofp %convert_element_type3A_98 : vector<64x1024xi32> to vector<64x1024xf32>
    %add3A_100 = arith.addf %add3A_94, %convert_element_type3A_99 : vector<64x1024xf32>
    %slice3A_101 = vector.extract_strided_slice %get3A_41 {offsets = [0, 10], sizes = [64, 1], strides = [1, 1]} : vector<64x128xi32> to vector<64x1xi32>
    %eq3A_102 = vector.broadcast %slice3A_101 : vector<64x1xi32> to vector<64x1024xi32>
    %eq3A_103 = arith.cmpi eq, %eq3A_102, %iota3A : vector<64x1024xi32>
    %convert_element_type3A_104 = arith.extui %eq3A_103 : vector<64x1024xi1> to vector<64x1024xi32>
    %convert_element_type3A_105 = arith.sitofp %convert_element_type3A_104 : vector<64x1024xi32> to vector<64x1024xf32>
    %add3A_106 = arith.addf %add3A_100, %convert_element_type3A_105 : vector<64x1024xf32>
    %slice3A_107 = vector.extract_strided_slice %get3A_41 {offsets = [0, 11], sizes = [64, 1], strides = [1, 1]} : vector<64x128xi32> to vector<64x1xi32>
    %eq3A_108 = vector.broadcast %slice3A_107 : vector<64x1xi32> to vector<64x1024xi32>
    %eq3A_109 = arith.cmpi eq, %eq3A_108, %iota3A : vector<64x1024xi32>
    %convert_element_type3A_110 = arith.extui %eq3A_109 : vector<64x1024xi1> to vector<64x1024xi32>
    %convert_element_type3A_111 = arith.sitofp %convert_element_type3A_110 : vector<64x1024xi32> to vector<64x1024xf32>
    %add3A_112 = arith.addf %add3A_106, %convert_element_type3A_111 : vector<64x1024xf32>
    %slice3A_113 = vector.extract_strided_slice %get3A_41 {offsets = [0, 12], sizes = [64, 1], strides = [1, 1]} : vector<64x128xi32> to vector<64x1xi32>
    %eq3A_114 = vector.broadcast %slice3A_113 : vector<64x1xi32> to vector<64x1024xi32>
    %eq3A_115 = arith.cmpi eq, %eq3A_114, %iota3A : vector<64x1024xi32>
    %convert_element_type3A_116 = arith.extui %eq3A_115 : vector<64x1024xi1> to vector<64x1024xi32>
    %convert_element_type3A_117 = arith.sitofp %convert_element_type3A_116 : vector<64x1024xi32> to vector<64x1024xf32>
    %add3A_118 = arith.addf %add3A_112, %convert_element_type3A_117 : vector<64x1024xf32>
    %slice3A_119 = vector.extract_strided_slice %get3A_41 {offsets = [0, 13], sizes = [64, 1], strides = [1, 1]} : vector<64x128xi32> to vector<64x1xi32>
    %eq3A_120 = vector.broadcast %slice3A_119 : vector<64x1xi32> to vector<64x1024xi32>
    %eq3A_121 = arith.cmpi eq, %eq3A_120, %iota3A : vector<64x1024xi32>
    %convert_element_type3A_122 = arith.extui %eq3A_121 : vector<64x1024xi1> to vector<64x1024xi32>
    %convert_element_type3A_123 = arith.sitofp %convert_element_type3A_122 : vector<64x1024xi32> to vector<64x1024xf32>
    %add3A_124 = arith.addf %add3A_118, %convert_element_type3A_123 : vector<64x1024xf32>
    %slice3A_125 = vector.extract_strided_slice %get3A_41 {offsets = [0, 14], sizes = [64, 1], strides = [1, 1]} : vector<64x128xi32> to vector<64x1xi32>
    %eq3A_126 = vector.broadcast %slice3A_125 : vector<64x1xi32> to vector<64x1024xi32>
    %eq3A_127 = arith.cmpi eq, %eq3A_126, %iota3A : vector<64x1024xi32>
    %convert_element_type3A_128 = arith.extui %eq3A_127 : vector<64x1024xi1> to vector<64x1024xi32>
    %convert_element_type3A_129 = arith.sitofp %convert_element_type3A_128 : vector<64x1024xi32> to vector<64x1024xf32>
    %add3A_130 = arith.addf %add3A_124, %convert_element_type3A_129 : vector<64x1024xf32>
    %slice3A_131 = vector.extract_strided_slice %get3A_41 {offsets = [0, 15], sizes = [64, 1], strides = [1, 1]} : vector<64x128xi32> to vector<64x1xi32>
    %eq3A_132 = vector.broadcast %slice3A_131 : vector<64x1xi32> to vector<64x1024xi32>
    %eq3A_133 = arith.cmpi eq, %eq3A_132, %iota3A : vector<64x1024xi32>
    %convert_element_type3A_134 = arith.extui %eq3A_133 : vector<64x1024xi1> to vector<64x1024xi32>
    %convert_element_type3A_135 = arith.sitofp %convert_element_type3A_134 : vector<64x1024xi32> to vector<64x1024xf32>
    %add3A_136 = arith.addf %add3A_130, %convert_element_type3A_135 : vector<64x1024xf32>
    %convert_element_type3A_137 = arith.truncf %add3A_136 : vector<64x1024xf32> to vector<64x1024xbf16>
    %dot_general3A_138 = arith.constant dense<0.000000e+00> : vector<64x512xf32>
    %dot_general3A_139 = tpu.matmul %convert_element_type3A_137, %convert_element_type3A_36, %dot_general3A_138 {dimension_numbers = #tpu.dot_dimension_numbers<[1], [0], [0], [1], [0, 0, 1, 1], [], []>, transpose_lhs_hint = false} : vector<64x1024xbf16>, vector<1024x512xbf16>, vector<64x512xf32> -> vector<64x512xf32>
    %convert_element_type3A_140 = arith.truncf %dot_general3A_139 : vector<64x512xf32> to vector<64x512xbf16>
    %get3A_141 = arith.constant 0 : index
    %get3A_142 = arith.constant 0 : index
    %get3A_143 = vector.load %arg8[%get3A_141, %get3A_142] : memref<512x128xbf16, #tpu.memory_space<vmem>>, vector<512x128xbf16>
    %dot_general3A_144 = arith.constant dense<0.000000e+00> : vector<64x128xf32>
    %dot_general3A_145 = tpu.matmul %convert_element_type3A_140, %get3A_143, %dot_general3A_144 {dimension_numbers = #tpu.dot_dimension_numbers<[1], [0], [0], [1], [0, 0, 1, 1], [], []>, transpose_lhs_hint = false} : vector<64x512xbf16>, vector<512x128xbf16>, vector<64x128xf32> -> vector<64x128xf32>
    %get3A_146 = arith.constant 0 : index
    %get3A_147 = arith.constant 0 : index
    %get3A_148 = memref.load %arg10[%get3A_146, %get3A_147] : memref<1x2xf32, #tpu.memory_space<smem>>
    %mul3A = arith.constant 1.600000e+01 : f32
    %mul3A_149 = arith.mulf %get3A_148, %mul3A : f32
    %add3A_150 = vector.broadcast %mul3A_149 : f32 to vector<64x128xf32>
    %add3A_151 = arith.addf %dot_general3A_145, %add3A_150 : vector<64x128xf32>
    %iota3A_152 = tpu.iota {dimensions = array<i32: 0>} : vector<72x128xi32>
    %broadcast_in_dim3A_153 = arith.constant 0.000000e+00 : f32
    %broadcast_in_dim3A_154 = vector.broadcast %broadcast_in_dim3A_153 : f32 to vector<8x128xf32>
    %concatenate3A = tpu.concatenate %add3A_151, %broadcast_in_dim3A_154 in 0 : vector<64x128xf32>, vector<8x128xf32> -> vector<72x128xf32>
    %lt3A = arith.constant 64 : i32
    %lt3A_155 = vector.broadcast %lt3A : i32 to vector<72x128xi32>
    %lt3A_156 = arith.cmpi slt, %iota3A_152, %lt3A_155 : vector<72x128xi32>
    %eq3A_157 = arith.constant 64 : i32
    %eq3A_158 = vector.broadcast %eq3A_157 : i32 to vector<72x128xi32>
    %eq3A_159 = arith.cmpi eq, %iota3A_152, %eq3A_158 : vector<72x128xi32>
    %get3A_160 = arith.constant 0 : index
    %get3A_161 = arith.constant 1 : index
    %get3A_162 = memref.load %arg10[%get3A_160, %get3A_161] : memref<1x2xf32, #tpu.memory_space<smem>>
    %jit3A = arith.constant 0xFF800000 : f32
    %broadcast_in_dim3A_163 = vector.broadcast %get3A_162 : f32 to vector<72x128xf32>
    %broadcast_in_dim3A_164 = vector.broadcast %jit3A : f32 to vector<72x128xf32>
    %select_n3A = arith.select %eq3A_159, %broadcast_in_dim3A_163, %broadcast_in_dim3A_164 : vector<72x128xi1>, vector<72x128xf32>
    %select_n3A_165 = arith.select %lt3A_156, %concatenate3A, %select_n3A : vector<72x128xi1>, vector<72x128xf32>
    %reduce_max3A = arith.constant dense<0xFF800000> : vector<128xf32>
    %reduce_max3A_166 = vector.multi_reduction <maximumf>, %select_n3A_165, %reduce_max3A [0] : vector<72x128xf32> to vector<128xf32>
    %broadcast_in_dim3A_167 = vector.shape_cast %reduce_max3A_166 : vector<128xf32> to vector<1x128xf32>
    %sub3A = vector.broadcast %broadcast_in_dim3A_167 : vector<1x128xf32> to vector<72x128xf32>
    %sub3A_168 = arith.subf %select_n3A_165, %sub3A : vector<72x128xf32>
    %exp3A = math.exp %sub3A_168 : vector<72x128xf32>
    %reduce_sum3A = arith.constant dense<0.000000e+00> : vector<128xf32>
    %reduce_sum3A_169 = vector.multi_reduction <add>, %exp3A, %reduce_sum3A [0] : vector<72x128xf32> to vector<128xf32>
    %broadcast_in_dim3A_170 = vector.shape_cast %reduce_sum3A_169 : vector<128xf32> to vector<1x128xf32>
    %div3A = vector.broadcast %broadcast_in_dim3A_170 : vector<1x128xf32> to vector<72x128xf32>
    %div3A_171 = arith.divf %exp3A, %div3A : vector<72x128xf32>
    %swap3A = arith.constant 0 : index
    %swap3A_172 = arith.constant 0 : index
    %swap3A_173 = arith.constant 0 : index
    %swap3A_174 = vector.load %arg11[%swap3A, %swap3A_172, %swap3A_173] : memref<1x72x128xf32, #tpu.memory_space<vmem>>, vector<1x72x128xf32>
    %swap3A_175 = vector.shape_cast %swap3A_174 : vector<1x72x128xf32> to vector<72x128xf32>
    %swap3A_176 = vector.shape_cast %div3A_171 : vector<72x128xf32> to vector<1x72x128xf32>
    tpu.vector_store %arg11[%swap3A, %swap3A_172, %swap3A_173], %swap3A_176 {strides = array<i32>} : memref<1x72x128xf32, #tpu.memory_space<vmem>>, vector<1x72x128xf32>,
    return
  }
  func.func @transform_0(%arg0: i32) -> (i32, i32) {
    %c0_i32 = arith.constant 0 : i32
    %c0_i32_0 = arith.constant 0 : i32
    return %arg0, %c0_i32 : i32, i32
  }
  func.func @transform_1(%arg0: i32) -> (i32, i32) {
    %add3A = arith.constant 4 : i32
    %add3A_0 = arith.addi %add3A, %arg0 : i32
    %c0_i32 = arith.constant 0 : i32
    %c0_i32_1 = arith.constant 0 : i32
    return %add3A_0, %c0_i32 : i32, i32
  }
  func.func @transform_2(%arg0: i32) -> (i32, i32) {
    %c0_i32 = arith.constant 0 : i32
    %c0_i32_0 = arith.constant 0 : i32
    %c0_i32_1 = arith.constant 0 : i32
    return %c0_i32, %c0_i32_0 : i32, i32
  }
  func.func @transform_3(%arg0: i32) -> (i32, i32) {
    %c0_i32 = arith.constant 0 : i32
    %c0_i32_0 = arith.constant 0 : i32
    %c0_i32_1 = arith.constant 0 : i32
    return %c0_i32, %c0_i32_0 : i32, i32
  }
  func.func @transform_4(%arg0: i32) -> (i32, i32) {
    %c0_i32 = arith.constant 0 : i32
    %c0_i32_0 = arith.constant 0 : i32
    %c0_i32_1 = arith.constant 0 : i32
    return %c0_i32, %c0_i32_0 : i32, i32
  }
  func.func @transform_5(%arg0: i32) -> (i32, i32) {
    %c0_i32 = arith.constant 0 : i32
    %c0_i32_0 = arith.constant 0 : i32
    %c0_i32_1 = arith.constant 0 : i32
    return %c0_i32, %c0_i32_0 : i32, i32
  }
  func.func @transform_6(%arg0: i32) -> (i32, i32) {
    %c0_i32 = arith.constant 0 : i32
    %c0_i32_0 = arith.constant 0 : i32
    %c0_i32_1 = arith.constant 0 : i32
    return %c0_i32, %c0_i32_0 : i32, i32
  }
  func.func @transform_7(%arg0: i32) -> (i32, i32) {
    %c0_i32 = arith.constant 0 : i32
    %c0_i32_0 = arith.constant 0 : i32
    %c0_i32_1 = arith.constant 0 : i32
    return %c0_i32, %c0_i32_0 : i32, i32
  }
  func.func @transform_8(%arg0: i32) -> (i32, i32, i32) {
    %add3A = arith.constant 4 : i32
    %add3A_0 = arith.addi %add3A, %arg0 : i32
    %c0_i32 = arith.constant 0 : i32
    %c0_i32_1 = arith.constant 0 : i32
    %c0_i32_2 = arith.constant 0 : i32
    return %add3A_0, %c0_i32, %c0_i32_1 : i32, i32, i32
  }
  func.func @transform_9(%arg0: i32) -> (i32, i32) {
    %c0_i32 = arith.constant 0 : i32
    %c0_i32_0 = arith.constant 0 : i32
    %c0_i32_1 = arith.constant 0 : i32
    return %c0_i32, %c0_i32_0 : i32, i32
  }
  func.func @transform_10(%arg0: i32) -> (i32, i32, i32) {
    %c0_i32 = arith.constant 0 : i32
    %c0_i32_0 = arith.constant 0 : i32
    %c0_i32_1 = arith.constant 0 : i32
    return %arg0, %c0_i32, %c0_i32_0 : i32, i32, i32
  }
}

module attributes {stable_mosaic.version = 14 : i64} {
  func.func @_tc_body(%arg0: i32, %arg1: memref<1024x256xf32, #tpu.memory_space<vmem>>, %arg2: memref<1024x256xf32, #tpu.memory_space<vmem>>, %arg3: memref<256x512xbf16, #tpu.memory_space<vmem>>, %arg4: memref<256x512xbf16, #tpu.memory_space<vmem>>, %arg5: memref<1x512xf32, #tpu.memory_space<vmem>>, %arg6: memref<512x512xbf16, #tpu.memory_space<vmem>>, %arg7: memref<1x512xf32, #tpu.memory_space<vmem>>, %arg8: memref<512x128xbf16, #tpu.memory_space<vmem>>, %arg9: memref<1x64x128xi32, #tpu.memory_space<vmem>>, %arg10: memref<1x2xf32, #tpu.memory_space<smem>>, %arg11: memref<1x72x128xf32, #tpu.memory_space<vmem>>) attributes {dimension_semantics = [#tpu.dimension_semantics<arbitrary>], iteration_bounds = array<i64: 4>, scalar_prefetch = 0 : i64, scratch_operands = 0 : i64, tpu.core_type = #tpu.core_type<tc>, window_params = [{transform_indices = @transform_0, window_bounds = array<i64: 1024, 256>}, {transform_indices = @transform_1, window_bounds = array<i64: 1024, 256>}, {pipeline_mode = #tpu.pipeline_mode<synchronous>, transform_indices = @transform_2, window_bounds = array<i64: 256, 512>}, {pipeline_mode = #tpu.pipeline_mode<synchronous>, transform_indices = @transform_3, window_bounds = array<i64: 256, 512>}, {pipeline_mode = #tpu.pipeline_mode<synchronous>, transform_indices = @transform_4, window_bounds = array<i64: 1, 512>}, {pipeline_mode = #tpu.pipeline_mode<synchronous>, transform_indices = @transform_5, window_bounds = array<i64: 512, 512>}, {pipeline_mode = #tpu.pipeline_mode<synchronous>, transform_indices = @transform_6, window_bounds = array<i64: 1, 512>}, {pipeline_mode = #tpu.pipeline_mode<synchronous>, transform_indices = @transform_7, window_bounds = array<i64: 512, 128>}, {transform_indices = @transform_8, window_bounds = array<i64: 1, 64, 128>}, {transform_indices = @transform_9, window_bounds = array<i64: 1, 2>}, {transform_indices = @transform_10, window_bounds = array<i64: 1, 72, 128>}]} {
    %get3A = arith.constant 0 : index
    %get3A_0 = arith.constant 0 : index
    %get3A_1 = vector.load %arg1[%get3A, %get3A_0] : memref<1024x256xf32, #tpu.memory_space<vmem>>, vector<1024x256xf32>
    %convert_element_type3A = arith.truncf %get3A_1 : vector<1024x256xf32> to vector<1024x256xbf16>
    %get3A_2 = arith.constant 0 : index
    %get3A_3 = arith.constant 0 : index
    %get3A_4 = vector.load %arg2[%get3A_2, %get3A_3] : memref<1024x256xf32, #tpu.memory_space<vmem>>, vector<1024x256xf32>
    %convert_element_type3A_5 = arith.truncf %get3A_4 : vector<1024x256xf32> to vector<1024x256xbf16>
    %get3A_6 = arith.constant 0 : index
    %get3A_7 = arith.constant 0 : index
    %get3A_8 = vector.load %arg3[%get3A_6, %get3A_7] : memref<256x512xbf16, #tpu.memory_space<vmem>>, vector<256x512xbf16>
    %dot_general3A = arith.constant dense<0.000000e+00> : vector<1024x512xf32>
    %dot_general3A_9 = tpu.matmul %convert_element_type3A, %get3A_8, %dot_general3A {dimension_numbers = #tpu.dot_dimension_numbers<[1], [0], [0], [1], [0, 0, 1, 1], [], []>, transpose_lhs_hint = false} : vector<1024x256xbf16>, vector<256x512xbf16>, vector<1024x512xf32> -> vector<1024x512xf32>
    %get3A_10 = arith.constant 0 : index
    %get3A_11 = arith.constant 0 : index
    %get3A_12 = vector.load %arg4[%get3A_10, %get3A_11] : memref<256x512xbf16, #tpu.memory_space<vmem>>, vector<256x512xbf16>
    %dot_general3A_13 = arith.constant dense<0.000000e+00> : vector<1024x512xf32>
    %dot_general3A_14 = tpu.matmul %convert_element_type3A_5, %get3A_12, %dot_general3A_13 {dimension_numbers = #tpu.dot_dimension_numbers<[1], [0], [0], [1], [0, 0, 1, 1], [], []>, transpose_lhs_hint = false} : vector<1024x256xbf16>, vector<256x512xbf16>, vector<1024x512xf32> -> vector<1024x512xf32>
    %add3A = arith.addf %dot_general3A_9, %dot_general3A_14 : vector<1024x512xf32>
    %get3A_15 = arith.constant 0 : index
    %get3A_16 = arith.constant 0 : index
    %get3A_17 = vector.load %arg5[%get3A_15, %get3A_16] : memref<1x512xf32, #tpu.memory_space<vmem>>, vector<1x512xf32>
    %add3A_18 = vector.broadcast %get3A_17 : vector<1x512xf32> to vector<1024x512xf32>
    %add3A_19 = arith.addf %add3A, %add3A_18 : vector<1024x512xf32>
    %max3A = arith.constant 0.000000e+00 : f32
    %max3A_20 = vector.broadcast %max3A : f32 to vector<1024x512xf32>
    %max3A_21 = arith.maximumf %add3A_19, %max3A_20 : vector<1024x512xf32>
    %convert_element_type3A_22 = arith.truncf %max3A_21 : vector<1024x512xf32> to vector<1024x512xbf16>
    %get3A_23 = arith.constant 0 : index
    %get3A_24 = arith.constant 0 : index
    %get3A_25 = vector.load %arg6[%get3A_23, %get3A_24] : memref<512x512xbf16, #tpu.memory_space<vmem>>, vector<512x512xbf16>
    %dot_general3A_26 = arith.constant dense<0.000000e+00> : vector<1024x512xf32>
    %dot_general3A_27 = tpu.matmul %convert_element_type3A_22, %get3A_25, %dot_general3A_26 {dimension_numbers = #tpu.dot_dimension_numbers<[1], [0], [0], [1], [0, 0, 1, 1], [], []>, transpose_lhs_hint = false} : vector<1024x512xbf16>, vector<512x512xbf16>, vector<1024x512xf32> -> vector<1024x512xf32>
    %get3A_28 = arith.constant 0 : index
    %get3A_29 = arith.constant 0 : index
    %get3A_30 = vector.load %arg7[%get3A_28, %get3A_29] : memref<1x512xf32, #tpu.memory_space<vmem>>, vector<1x512xf32>
    %add3A_31 = vector.broadcast %get3A_30 : vector<1x512xf32> to vector<1024x512xf32>
    %add3A_32 = arith.addf %dot_general3A_27, %add3A_31 : vector<1024x512xf32>
    %max3A_33 = arith.constant 0.000000e+00 : f32
    %max3A_34 = vector.broadcast %max3A_33 : f32 to vector<1024x512xf32>
    %max3A_35 = arith.maximumf %add3A_32, %max3A_34 : vector<1024x512xf32>
    %convert_element_type3A_36 = arith.truncf %max3A_35 : vector<1024x512xf32> to vector<1024x512xbf16>
    %get3A_37 = arith.constant 0 : index
    %get3A_38 = arith.constant 0 : index
    %get3A_39 = arith.constant 0 : index
    %get3A_40 = vector.load %arg9[%get3A_37, %get3A_38, %get3A_39] : memref<1x64x128xi32, #tpu.memory_space<vmem>>, vector<1x64x128xi32>
    %get3A_41 = vector.shape_cast %get3A_40 : vector<1x64x128xi32> to vector<64x128xi32>
    %iota3A = tpu.iota {dimensions = array<i32: 1>} : vector<64x1024xi32>
    %broadcast_in_dim3A = arith.constant 0.000000e+00 : f32
    %broadcast_in_dim3A_42 = vector.broadcast %broadcast_in_dim3A : f32 to vector<64x1024xf32>
    %slice3A = vector.extract_strided_slice %get3A_41 {offsets = [0, 0], sizes = [64, 1], strides = [1, 1]} : vector<64x128xi32> to vector<64x1xi32>
    %eq3A = vector.broadcast %slice3A : vector<64x1xi32> to vector<64x1024xi32>
    %eq3A_43 = arith.cmpi eq, %eq3A, %iota3A : vector<64x1024xi32>
    %convert_element_type3A_44 = arith.extui %eq3A_43 : vector<64x1024xi1> to vector<64x1024xi32>
    %convert_element_type3A_45 = arith.sitofp %convert_element_type3A_44 : vector<64x1024xi32> to vector<64x1024xf32>
    %add3A_46 = arith.addf %broadcast_in_dim3A_42, %convert_element_type3A_45 : vector<64x1024xf32>
    %slice3A_47 = vector.extract_strided_slice %get3A_41 {offsets = [0, 1], sizes = [64, 1], strides = [1, 1]} : vector<64x128xi32> to vector<64x1xi32>
    %eq3A_48 = vector.broadcast %slice3A_47 : vector<64x1xi32> to vector<64x1024xi32>
    %eq3A_49 = arith.cmpi eq, %eq3A_48, %iota3A : vector<64x1024xi32>
    %convert_element_type3A_50 = arith.extui %eq3A_49 : vector<64x1024xi1> to vector<64x1024xi32>
    %convert_element_type3A_51 = arith.sitofp %convert_element_type3A_50 : vector<64x1024xi32> to vector<64x1024xf32>
    %add3A_52 = arith.addf %add3A_46, %convert_element_type3A_51 : vector<64x1024xf32>
    %slice3A_53 = vector.extract_strided_slice %get3A_41 {offsets = [0, 2], sizes = [64, 1], strides = [1, 1]} : vector<64x128xi32> to vector<64x1xi32>
    %eq3A_54 = vector.broadcast %slice3A_53 : vector<64x1xi32> to vector<64x1024xi32>
    %eq3A_55 = arith.cmpi eq, %eq3A_54, %iota3A : vector<64x1024xi32>
    %convert_element_type3A_56 = arith.extui %eq3A_55 : vector<64x1024xi1> to vector<64x1024xi32>
    %convert_element_type3A_57 = arith.sitofp %convert_element_type3A_56 : vector<64x1024xi32> to vector<64x1024xf32>
    %add3A_58 = arith.addf %add3A_52, %convert_element_type3A_57 : vector<64x1024xf32>
    %slice3A_59 = vector.extract_strided_slice %get3A_41 {offsets = [0, 3], sizes = [64, 1], strides = [1, 1]} : vector<64x128xi32> to vector<64x1xi32>
    %eq3A_60 = vector.broadcast %slice3A_59 : vector<64x1xi32> to vector<64x1024xi32>
    %eq3A_61 = arith.cmpi eq, %eq3A_60, %iota3A : vector<64x1024xi32>
    %convert_element_type3A_62 = arith.extui %eq3A_61 : vector<64x1024xi1> to vector<64x1024xi32>
    %convert_element_type3A_63 = arith.sitofp %convert_element_type3A_62 : vector<64x1024xi32> to vector<64x1024xf32>
    %add3A_64 = arith.addf %add3A_58, %convert_element_type3A_63 : vector<64x1024xf32>
    %slice3A_65 = vector.extract_strided_slice %get3A_41 {offsets = [0, 4], sizes = [64, 1], strides = [1, 1]} : vector<64x128xi32> to vector<64x1xi32>
    %eq3A_66 = vector.broadcast %slice3A_65 : vector<64x1xi32> to vector<64x1024xi32>
    %eq3A_67 = arith.cmpi eq, %eq3A_66, %iota3A : vector<64x1024xi32>
    %convert_element_type3A_68 = arith.extui %eq3A_67 : vector<64x1024xi1> to vector<64x1024xi32>
    %convert_element_type3A_69 = arith.sitofp %convert_element_type3A_68 : vector<64x1024xi32> to vector<64x1024xf32>
    %add3A_70 = arith.addf %add3A_64, %convert_element_type3A_69 : vector<64x1024xf32>
    %slice3A_71 = vector.extract_strided_slice %get3A_41 {offsets = [0, 5], sizes = [64, 1], strides = [1, 1]} : vector<64x128xi32> to vector<64x1xi32>
    %eq3A_72 = vector.broadcast %slice3A_71 : vector<64x1xi32> to vector<64x1024xi32>
    %eq3A_73 = arith.cmpi eq, %eq3A_72, %iota3A : vector<64x1024xi32>
    %convert_element_type3A_74 = arith.extui %eq3A_73 : vector<64x1024xi1> to vector<64x1024xi32>
    %convert_element_type3A_75 = arith.sitofp %convert_element_type3A_74 : vector<64x1024xi32> to vector<64x1024xf32>
    %add3A_76 = arith.addf %add3A_70, %convert_element_type3A_75 : vector<64x1024xf32>
    %slice3A_77 = vector.extract_strided_slice %get3A_41 {offsets = [0, 6], sizes = [64, 1], strides = [1, 1]} : vector<64x128xi32> to vector<64x1xi32>
    %eq3A_78 = vector.broadcast %slice3A_77 : vector<64x1xi32> to vector<64x1024xi32>
    %eq3A_79 = arith.cmpi eq, %eq3A_78, %iota3A : vector<64x1024xi32>
    %convert_element_type3A_80 = arith.extui %eq3A_79 : vector<64x1024xi1> to vector<64x1024xi32>
    %convert_element_type3A_81 = arith.sitofp %convert_element_type3A_80 : vector<64x1024xi32> to vector<64x1024xf32>
    %add3A_82 = arith.addf %add3A_76, %convert_element_type3A_81 : vector<64x1024xf32>
    %slice3A_83 = vector.extract_strided_slice %get3A_41 {offsets = [0, 7], sizes = [64, 1], strides = [1, 1]} : vector<64x128xi32> to vector<64x1xi32>
    %eq3A_84 = vector.broadcast %slice3A_83 : vector<64x1xi32> to vector<64x1024xi32>
    %eq3A_85 = arith.cmpi eq, %eq3A_84, %iota3A : vector<64x1024xi32>
    %convert_element_type3A_86 = arith.extui %eq3A_85 : vector<64x1024xi1> to vector<64x1024xi32>
    %convert_element_type3A_87 = arith.sitofp %convert_element_type3A_86 : vector<64x1024xi32> to vector<64x1024xf32>
    %add3A_88 = arith.addf %add3A_82, %convert_element_type3A_87 : vector<64x1024xf32>
    %slice3A_89 = vector.extract_strided_slice %get3A_41 {offsets = [0, 8], sizes = [64, 1], strides = [1, 1]} : vector<64x128xi32> to vector<64x1xi32>
    %eq3A_90 = vector.broadcast %slice3A_89 : vector<64x1xi32> to vector<64x1024xi32>
    %eq3A_91 = arith.cmpi eq, %eq3A_90, %iota3A : vector<64x1024xi32>
    %convert_element_type3A_92 = arith.extui %eq3A_91 : vector<64x1024xi1> to vector<64x1024xi32>
    %convert_element_type3A_93 = arith.sitofp %convert_element_type3A_92 : vector<64x1024xi32> to vector<64x1024xf32>
    %add3A_94 = arith.addf %add3A_88, %convert_element_type3A_93 : vector<64x1024xf32>
    %slice3A_95 = vector.extract_strided_slice %get3A_41 {offsets = [0, 9], sizes = [64, 1], strides = [1, 1]} : vector<64x128xi32> to vector<64x1xi32>
    %eq3A_96 = vector.broadcast %slice3A_95 : vector<64x1xi32> to vector<64x1024xi32>
    %eq3A_97 = arith.cmpi eq, %eq3A_96, %iota3A : vector<64x1024xi32>
    %convert_element_type3A_98 = arith.extui %eq3A_97 : vector<64x1024xi1> to vector<64x1024xi32>
    %convert_element_type3A_99 = arith.sitofp %convert_element_type3A_98 : vector<64x1024xi32> to vector<64x1024xf32>
    %add3A_100 = arith.addf %add3A_94, %convert_element_type3A_99 : vector<64x1024xf32>
    %slice3A_101 = vector.extract_strided_slice %get3A_41 {offsets = [0, 10], sizes = [64, 1], strides = [1, 1]} : vector<64x128xi32> to vector<64x1xi32>
    %eq3A_102 = vector.broadcast %slice3A_101 : vector<64x1xi32> to vector<64x1024xi32>
    %eq3A_103 = arith.cmpi eq, %eq3A_102, %iota3A : vector<64x1024xi32>
    %convert_element_type3A_104 = arith.extui %eq3A_103 : vector<64x1024xi1> to vector<64x1024xi32>
    %convert_element_type3A_105 = arith.sitofp %convert_element_type3A_104 : vector<64x1024xi32> to vector<64x1024xf32>
    %add3A_106 = arith.addf %add3A_100, %convert_element_type3A_105 : vector<64x1024xf32>
    %slice3A_107 = vector.extract_strided_slice %get3A_41 {offsets = [0, 11], sizes = [64, 1], strides = [1, 1]} : vector<64x128xi32> to vector<64x1xi32>
    %eq3A_108 = vector.broadcast %slice3A_107 : vector<64x1xi32> to vector<64x1024xi32>
    %eq3A_109 = arith.cmpi eq, %eq3A_108, %iota3A : vector<64x1024xi32>
    %convert_element_type3A_110 = arith.extui %eq3A_109 : vector<64x1024xi1> to vector<64x1024xi32>
    %convert_element_type3A_111 = arith.sitofp %convert_element_type3A_110 : vector<64x1024xi32> to vector<64x1024xf32>
    %add3A_112 = arith.addf %add3A_106, %convert_element_type3A_111 : vector<64x1024xf32>
    %slice3A_113 = vector.extract_strided_slice %get3A_41 {offsets = [0, 12], sizes = [64, 1], strides = [1, 1]} : vector<64x128xi32> to vector<64x1xi32>
    %eq3A_114 = vector.broadcast %slice3A_113 : vector<64x1xi32> to vector<64x1024xi32>
    %eq3A_115 = arith.cmpi eq, %eq3A_114, %iota3A : vector<64x1024xi32>
    %convert_element_type3A_116 = arith.extui %eq3A_115 : vector<64x1024xi1> to vector<64x1024xi32>
    %convert_element_type3A_117 = arith.sitofp %convert_element_type3A_116 : vector<64x1024xi32> to vector<64x1024xf32>
    %add3A_118 = arith.addf %add3A_112, %convert_element_type3A_117 : vector<64x1024xf32>
    %slice3A_119 = vector.extract_strided_slice %get3A_41 {offsets = [0, 13], sizes = [64, 1], strides = [1, 1]} : vector<64x128xi32> to vector<64x1xi32>
    %eq3A_120 = vector.broadcast %slice3A_119 : vector<64x1xi32> to vector<64x1024xi32>
    %eq3A_121 = arith.cmpi eq, %eq3A_120, %iota3A : vector<64x1024xi32>
    %convert_element_type3A_122 = arith.extui %eq3A_121 : vector<64x1024xi1> to vector<64x1024xi32>
    %convert_element_type3A_123 = arith.sitofp %convert_element_type3A_122 : vector<64x1024xi32> to vector<64x1024xf32>
    %add3A_124 = arith.addf %add3A_118, %convert_element_type3A_123 : vector<64x1024xf32>
    %slice3A_125 = vector.extract_strided_slice %get3A_41 {offsets = [0, 14], sizes = [64, 1], strides = [1, 1]} : vector<64x128xi32> to vector<64x1xi32>
    %eq3A_126 = vector.broadcast %slice3A_125 : vector<64x1xi32> to vector<64x1024xi32>
    %eq3A_127 = arith.cmpi eq, %eq3A_126, %iota3A : vector<64x1024xi32>
    %convert_element_type3A_128 = arith.extui %eq3A_127 : vector<64x1024xi1> to vector<64x1024xi32>
    %convert_element_type3A_129 = arith.sitofp %convert_element_type3A_128 : vector<64x1024xi32> to vector<64x1024xf32>
    %add3A_130 = arith.addf %add3A_124, %convert_element_type3A_129 : vector<64x1024xf32>
    %slice3A_131 = vector.extract_strided_slice %get3A_41 {offsets = [0, 15], sizes = [64, 1], strides = [1, 1]} : vector<64x128xi32> to vector<64x1xi32>
    %eq3A_132 = vector.broadcast %slice3A_131 : vector<64x1xi32> to vector<64x1024xi32>
    %eq3A_133 = arith.cmpi eq, %eq3A_132, %iota3A : vector<64x1024xi32>
    %convert_element_type3A_134 = arith.extui %eq3A_133 : vector<64x1024xi1> to vector<64x1024xi32>
    %convert_element_type3A_135 = arith.sitofp %convert_element_type3A_134 : vector<64x1024xi32> to vector<64x1024xf32>
    %add3A_136 = arith.addf %add3A_130, %convert_element_type3A_135 : vector<64x1024xf32>
    %convert_element_type3A_137 = arith.truncf %add3A_136 : vector<64x1024xf32> to vector<64x1024xbf16>
    %dot_general3A_138 = arith.constant dense<0.000000e+00> : vector<64x512xf32>
    %dot_general3A_139 = tpu.matmul %convert_element_type3A_137, %convert_element_type3A_36, %dot_general3A_138 {dimension_numbers = #tpu.dot_dimension_numbers<[1], [0], [0], [1], [0, 0, 1, 1], [], []>, transpose_lhs_hint = false} : vector<64x1024xbf16>, vector<1024x512xbf16>, vector<64x512xf32> -> vector<64x512xf32>
    %convert_element_type3A_140 = arith.truncf %dot_general3A_139 : vector<64x512xf32> to vector<64x512xbf16>
    %get3A_141 = arith.constant 0 : index
    %get3A_142 = arith.constant 0 : index
    %get3A_143 = vector.load %arg8[%get3A_141, %get3A_142] : memref<512x128xbf16, #tpu.memory_space<vmem>>, vector<512x128xbf16>
    %dot_general3A_144 = arith.constant dense<0.000000e+00> : vector<64x128xf32>
    %dot_general3A_145 = tpu.matmul %convert_element_type3A_140, %get3A_143, %dot_general3A_144 {dimension_numbers = #tpu.dot_dimension_numbers<[1], [0], [0], [1], [0, 0, 1, 1], [], []>, transpose_lhs_hint = false} : vector<64x512xbf16>, vector<512x128xbf16>, vector<64x128xf32> -> vector<64x128xf32>
    %get3A_146 = arith.constant 0 : index
    %get3A_147 = arith.constant 0 : index
    %get3A_148 = memref.load %arg10[%get3A_146, %get3A_147] : memref<1x2xf32, #tpu.memory_space<smem>>
    %mul3A = arith.constant 1.600000e+01 : f32
    %mul3A_149 = arith.mulf %get3A_148, %mul3A : f32
    %add3A_150 = vector.broadcast %mul3A_149 : f32 to vector<64x128xf32>
    %add3A_151 = arith.addf %dot_general3A_145, %add3A_150 : vector<64x128xf32>
    %iota3A_152 = tpu.iota {dimensions = array<i32: 0>} : vector<72x128xi32>
    %broadcast_in_dim3A_153 = arith.constant 0.000000e+00 : f32
    %broadcast_in_dim3A_154 = vector.broadcast %broadcast_in_dim3A_153 : f32 to vector<8x128xf32>
    %concatenate3A = tpu.concatenate %add3A_151, %broadcast_in_dim3A_154 in 0 : vector<64x128xf32>, vector<8x128xf32> -> vector<72x128xf32>
    %lt3A = arith.constant 64 : i32
    %lt3A_155 = vector.broadcast %lt3A : i32 to vector<72x128xi32>
    %lt3A_156 = arith.cmpi slt, %iota3A_152, %lt3A_155 : vector<72x128xi32>
    %eq3A_157 = arith.constant 64 : i32
    %eq3A_158 = vector.broadcast %eq3A_157 : i32 to vector<72x128xi32>
    %eq3A_159 = arith.cmpi eq, %iota3A_152, %eq3A_158 : vector<72x128xi32>
    %get3A_160 = arith.constant 0 : index
    %get3A_161 = arith.constant 1 : index
    %get3A_162 = memref.load %arg10[%get3A_160, %get3A_161] : memref<1x2xf32, #tpu.memory_space<smem>>
    %jit3A = arith.constant 0xFF800000 : f32
    %broadcast_in_dim3A_163 = vector.broadcast %get3A_162 : f32 to vector<72x128xf32>
    %broadcast_in_dim3A_164 = vector.broadcast %jit3A : f32 to vector<72x128xf32>
    %select_n3A = arith.select %eq3A_159, %broadcast_in_dim3A_163, %broadcast_in_dim3A_164 : vector<72x128xi1>, vector<72x128xf32>
    %select_n3A_165 = arith.select %lt3A_156, %concatenate3A, %select_n3A : vector<72x128xi1>, vector<72x128xf32>
    %reduce_max3A = arith.constant dense<0xFF800000> : vector<128xf32>
    %reduce_max3A_166 = vector.multi_reduction <maximumf>, %select_n3A_165, %reduce_max3A [0] : vector<72x128xf32> to vector<128xf32>
    %broadcast_in_dim3A_167 = vector.shape_cast %reduce_max3A_166 : vector<128xf32> to vector<1x128xf32>
    %sub3A = vector.broadcast %broadcast_in_dim3A_167 : vector<1x128xf32> to vector<72x128xf32>
    %sub3A_168 = arith.subf %select_n3A_165, %sub3A : vector<72x128xf32>
    %exp3A = math.exp %sub3A_168 : vector<72x128xf32>
    %reduce_sum3A = arith.constant dense<0.000000e+00> : vector<128xf32>
    %reduce_sum3A_169 = vector.multi_reduction <add>, %exp3A, %reduce_sum3A [0] : vector<72x128xf32> to vector<128xf32>
    %broadcast_in_dim3A_170 = vector.shape_cast %reduce_sum3A_169 : vector<128xf32> to vector<1x128xf32>
    %div3A = vector.broadcast %broadcast_in_dim3A_170 : vector<1x128xf32> to vector<72x128xf32>
    %div3A_171 = arith.divf %exp3A, %div3A : vector<72x128xf32>
    %swap3A = arith.constant 0 : index
    %swap3A_172 = arith.constant 0 : index
    %swap3A_173 = arith.constant 0 : index
    %swap3A_174 = vector.load %arg11[%swap3A, %swap3A_172, %swap3A_173] : memref<1x72x128xf32, #tpu.memory_space<vmem>>, vector<1x72x128xf32>
    %swap3A_175 = vector.shape_cast %swap3A_174 : vector<1x72x128xf32> to vector<72x128xf32>
    %swap3A_176 = vector.shape_cast %div3A_171 : vector<72x128xf32> to vector<1x72x128xf32>
    tpu.vector_store %arg11[%swap3A, %swap3A_172, %swap3A_173], %swap3A_176 {strides = array<i32>} : memref<1x72x128xf32, #tpu.memory_space<vmem>>, vector<1x72x128xf32>,
    return
  }
  func.func @transform_0(%arg0: i32) -> (i32, i32) {
    %c0_i32 = arith.constant 0 : i32
    %c0_i32_0 = arith.constant 0 : i32
    return %arg0, %c0_i32 : i32, i32
  }
  func.func @transform_1(%arg0: i32) -> (i32, i32) {
    %add3A = arith.constant 4 : i32
    %add3A_0 = arith.addi %add3A, %arg0 : i32
    %c0_i32 = arith.constant 0 : i32
    %c0_i32_1 = arith.constant 0 : i32
    return %add3A_0, %c0_i32 : i32, i32
  }
  func.func @transform_2(%arg0: i32) -> (i32, i32) {
    %c0_i32 = arith.constant 0 : i32
    %c0_i32_0 = arith.constant 0 : i32
    %c0_i32_1 = arith.constant 0 : i32
    return %c0_i32, %c0_i32_0 : i32, i32
  }
  func.func @transform_3(%arg0: i32) -> (i32, i32) {
    %c0_i32 = arith.constant 0 : i32
    %c0_i32_0 = arith.constant 0 : i32
    %c0_i32_1 = arith.constant 0 : i32
    return %c0_i32, %c0_i32_0 : i32, i32
  }
  func.func @transform_4(%arg0: i32) -> (i32, i32) {
    %c0_i32 = arith.constant 0 : i32
    %c0_i32_0 = arith.constant 0 : i32
    %c0_i32_1 = arith.constant 0 : i32
    return %c0_i32, %c0_i32_0 : i32, i32
  }
  func.func @transform_5(%arg0: i32) -> (i32, i32) {
    %c0_i32 = arith.constant 0 : i32
    %c0_i32_0 = arith.constant 0 : i32
    %c0_i32_1 = arith.constant 0 : i32
    return %c0_i32, %c0_i32_0 : i32, i32
  }
  func.func @transform_6(%arg0: i32) -> (i32, i32) {
    %c0_i32 = arith.constant 0 : i32
    %c0_i32_0 = arith.constant 0 : i32
    %c0_i32_1 = arith.constant 0 : i32
    return %c0_i32, %c0_i32_0 : i32, i32
  }
  func.func @transform_7(%arg0: i32) -> (i32, i32) {
    %c0_i32 = arith.constant 0 : i32
    %c0_i32_0 = arith.constant 0 : i32
    %c0_i32_1 = arith.constant 0 : i32
    return %c0_i32, %c0_i32_0 : i32, i32
  }
  func.func @transform_8(%arg0: i32) -> (i32, i32, i32) {
    %add3A = arith.constant 0 : i32
    %add3A_0 = arith.addi %add3A, %arg0 : i32
    %c0_i32 = arith.constant 0 : i32
    %c0_i32_1 = arith.constant 0 : i32
    %c0_i32_2 = arith.constant 0 : i32
    return %add3A_0, %c0_i32, %c0_i32_1 : i32, i32, i32
  }
  func.func @transform_9(%arg0: i32) -> (i32, i32) {
    %c0_i32 = arith.constant 0 : i32
    %c0_i32_0 = arith.constant 0 : i32
    %c0_i32_1 = arith.constant 0 : i32
    return %c0_i32, %c0_i32_0 : i32, i32
  }
  func.func @transform_10(%arg0: i32) -> (i32, i32, i32) {
    %c0_i32 = arith.constant 0 : i32
    %c0_i32_0 = arith.constant 0 : i32
    %c0_i32_1 = arith.constant 0 : i32
    return %arg0, %c0_i32, %c0_i32_0 : i32, i32, i32
  }
}

</mosaic_0001>

<sc_bundles>
// kernel: kernel.6.cloned.1.call-start
scs
__scs_entry_jumppad:
0x0: {  	(pc) =	sbr.rel $0x88, $3  }
0x1: {  	(tag) =	ssettag $0x0;
	lr =	simm.s32 $0x1  }
0x2: {  	[smem:$0x3F97] =	sst lr;
	_ =	strace $0xD0000000  }
0x3: {  	_ = 	snop  }
0x4: {  	_ = 	snop  }
0x5: {  	_ = 	snop  }
0x6: {  	_ = 	snop  }
0x7: {  	_ = 	snop  }
__scs_overlays_trampoline_lowered:
0x8: {  	[smem:$0x3FA6] =	sst s0  }
0x9: {  	[smem:$0x3FA7] =	sst s1  }
0xa: {  	[smem:$0x3FA8] =	sst s2  }
0xb: {  	[smem:$0x3FA9] =	sst s3  }
0xc: {  	[smem:$0x3FAA] =	sst s4  }
0xd: {  	[smem:$0x3FAB] =	sst s5  }
0xe: {  	[smem:$0x3FAC] =	sst s6  }
0xf: {  	[smem:$0x3FAD] =	sst s7  }
0x10: {  	[smem:$0x3FAE] =	sst s8  }
0x11: {  	[smem:$0x3FAF] =	sst s9;
	s0 =	simm.s32 @!p0 $0x0  }
0x12: {  	s1 =	sld [smem:$0x3F95];
	s0 =	simm.s32 @p0 $0x1  }
0x13: {  	[smem:$0x3FB0] =	sst s0;
	s0 =	simm.s32 @!p1 $0x0  }
0x14: {  	s2 =	sld [smem:$0x3F94];
	s0 =	simm.s32 @p1 $0x1  }
0x15: {  	[smem:$0x3FB1] =	sst s0;
	s0 =	simm.s32 @!p2 $0x0  }
0x16: {  	s3 =	sld [smem:$0x3FDB];
	s0 =	simm.s32 @p2 $0x1  }
0x17: {  	s4 =	simm.s32 $0x1BF5;
	[smem:$0x3FB3] =	sst s0  }
0x18: {  	s0 =	sld [smem:$0x3F96];
	_ =	swait.ge [sflag:s4], $0x0  }
0x19: {  	s7 =	sld [smem:$0x3F97]  }
0x1a: {  	s8 =	sadd.s32 $0xFFFFE003, lr  }
0x1b: {  	s9 =	sadd.s32 $0xFFFFFEF7, lr;
	s5 =	simm.s32 $0xFFFFFFFF;
	p2 =	slt.u32 s8, $0xFFFFF086  }
0x1c: {  	p1 =	slt.u32 s9, $0xF7A;
	s5 =	simm.s32 @!p2 $0x0  }
0x1d: {  	s5 =	simm.s32 @p1 $0x1;
	p0 =	seq.s32 s7, s2  }
0x1e: {  	s7 =	smul.u32 @!p0 $0xF7A, s2;
	p2 =	seq.s32 @!p0 s5, $0x0  }
0x1f: {  	s9 =	smul.u32 $0xF7A, s1;
	s8 =	simm.s32 @!p0 $0x1BF5;
	p2 =	por !p2, p0  }
0x20: {  	[sflag:s8] =	ssyncset.s32 @!p0 $0xFFFFF086;
	s6 =	sadd.s32 @!p0 s3, s7;
	s7 =	simm.s32 @!p0 $0x108  }
0x21: {  	s3 =	sadd.s32 s3, s9;
	s6 =	sadd.s32 @!p0 $0x88, s6;
	s7 =	simm.s32 @p2 $0x1082  }
0x22: {  	[simem:s7], [sflag:s8] =	dma.local @!p0 [hbm:s6], $0xF7A  }
0x23: {  	s9 =	sor.u32 $0xD0000000, s2;
	s6 =	simm.s32 $0x108;
	_ =	swait.ge @!p0 [sflag:s8], $0x0  }
0x24: {  	s3 =	sadd.s32 $0x88, s3;
	s6 =	simm.s32 @!p1 $0x1082;
	[sflag:s4] =	ssyncset.s32 $0xFFFFF086  }
0x25: {  	[simem:s6], [sflag:s4] =	dma.local [hbm:s3], $0xF7A  }
0x26: {  	[smem:$0x3F97] =	sst s1;
	(tag) =	ssettag s2;
	_ =	strace s9  }
0x27: {  	s1 =	sld [smem:$0x3FA7]  }
0x28: {  	s2 =	sld [smem:$0x3FA8]  }
0x29: {  	s4 =	sld [smem:$0x3FAA]  }
0x2a: {  	p0 =	seq.s32 s5, $0x0;
	s5 =	sld [smem:$0x3FAB]  }
0x2b: {  	s6 =	sld [smem:$0x3FAC]  }
0x2c: {  	s7 =	sld [smem:$0x3FAD]  }
0x2d: {  	s3 =	simm.s32 $0x108;
	s8 =	sld [smem:$0x3FAE]  }
0x2e: {  	s3 =	simm.s32 @!p0 $0x1082;
	s9 =	sld [smem:$0x3FAF]  }
0x2f: {  	lr =	sadd.s32 s0, s3;
	s0 =	sld [smem:$0x3FA6]  }
0x30: {  	s3 =	sld [smem:$0x3FA9]  }
0x31: {  	[smem:$0x3FB2] =	sst s10  }
0x32: {  	s10 =	sld [smem:$0x3FB0];
	_ =	sdelay $0x3  }
0x33: {  	p0 =	seq.s32 s10, $0x1;
	s10 =	sld [smem:$0x3FB2];
	_ =	sdelay $0x3  }
0x34: {  	[smem:$0x3FB2] =	sst s10  }
0x35: {  	s10 =	sld [smem:$0x3FB1];
	_ =	sdelay $0x3  }
0x36: {  	p1 =	seq.s32 s10, $0x1;
	s10 =	sld [smem:$0x3FB2];
	_ =	sdelay $0x3  }
0x37: {  	[smem:$0x3FB2] =	sst s10  }
0x38: {  	s10 =	sld [smem:$0x3FB3]  }
0x39: {  	_ = 	snop;
	(pc) =	sbr.ind lr, $3  }
0x3a: {  	_ = 	snop  }
0x3b: {  	_ = 	snop  }
0x3c: {  	p2 =	seq.s32 s10, $0x1;
	s10 =	sld [smem:$0x3FB2]  }
0x3d: {  	_ =	shalt  }
0x3e: {  	_ =	shalt  }
0x3f: {  	_ =	shalt  }
0x40: {  	_ =	shalt  }
0x41: {  	_ =	shalt  }
0x42: {  	_ =	shalt  }
0x43: {  	_ =	shalt  }
0x44: {  	_ =	shalt  }
0x45: {  	_ =	shalt  }
0x46: {  	_ =	shalt  }
0x47: {  	_ =	shalt  }
0x48: {  	_ =	shalt  }
0x49: {  	_ =	shalt  }
0x4a: {  	_ =	shalt  }
0x4b: {  	_ =	shalt  }
0x4c: {  	_ =	shalt  }
0x4d: {  	_ =	shalt  }
0x4e: {  	_ =	shalt  }
0x4f: {  	_ =	shalt  }
0x50: {  	_ =	shalt  }
0x51: {  	_ =	shalt  }
0x52: {  	_ =	shalt  }
0x53: {  	_ =	shalt  }
0x54: {  	_ =	shalt  }
0x55: {  	_ =	shalt  }
0x56: {  	_ =	shalt  }
0x57: {  	_ =	shalt  }
0x58: {  	_ =	shalt  }
0x59: {  	_ =	shalt  }
0x5a: {  	_ =	shalt  }
0x5b: {  	_ =	shalt  }
0x5c: {  	_ =	shalt  }
0x5d: {  	_ =	shalt  }
0x5e: {  	_ =	shalt  }
0x5f: {  	_ =	shalt  }
0x60: {  	_ =	shalt  }
0x61: {  	_ =	shalt  }
0x62: {  	_ =	shalt  }
0x63: {  	_ =	shalt  }
0x64: {  	_ =	shalt  }
0x65: {  	_ =	shalt  }
0x66: {  	_ =	shalt  }
0x67: {  	_ =	shalt  }
0x68: {  	_ =	shalt  }
0x69: {  	_ =	shalt  }
0x6a: {  	_ =	shalt  }
0x6b: {  	_ =	shalt  }
0x6c: {  	_ =	shalt  }
0x6d: {  	_ =	shalt  }
0x6e: {  	_ =	shalt  }
0x6f: {  	_ =	shalt  }
0x70: {  	_ =	shalt  }
0x71: {  	_ =	shalt  }
0x72: {  	_ =	shalt  }
0x73: {  	_ =	shalt  }
0x74: {  	_ =	shalt  }
0x75: {  	_ =	shalt  }
0x76: {  	_ =	shalt  }
0x77: {  	_ =	shalt  }
0x78: {  	_ =	shalt  }
0x79: {  	_ =	shalt  }
0x7a: {  	_ =	shalt  }
0x7b: {  	_ =	shalt  }
0x7c: {  	_ =	shalt  }
0x7d: {  	_ =	shalt  }
0x7e: {  	_ =	shalt  }
0x7f: {  	_ =	shalt  }
0x80: {  	_ =	shalt  }
0x81: {  	_ =	shalt  }
0x82: {  	_ =	shalt  }
0x83: {  	_ =	shalt  }
0x84: {  	_ =	shalt  }
0x85: {  	_ =	shalt  }
0x86: {  	_ =	shalt  }
0x87: {  	_ =	shalt  }
.Lfunc_end0:
.L_simem_size_0:
called_computation_lowered:
.L_overlay_start_0:
0x88: {  	s2 =	sld [smem:$0x3FD9]  }
0x89: {  	s3 =	sld [smem:$0x3FFE];
	_ =	sdelay $0x1  }
0x8a: {  	s1 =	srdreg.scid  }
0x8b: {  	s0 =	sand.u32 $0x1, s1  }
0x8c: {  	s17 =	sshll.u32 s0, $0xA;
	s2 =	sadd.s32 s3, s2  }
0x8d: {  	s2 =	sadd.s32 s2, s17  }
0x8e: {  	[smem:$0x3FBE] =	sst s2  }
0x8f: {  	_ = 	snop  }
0x90: {  	s18 =	sld [smem:$0x3FC9];
	(tm) =	ssettm $0x1  }
0x91: {  	s19 =	sld [smem:$0x3FFB];
	_ =	sdelay $0x3  }
0x92: {  	_ =	strace s19  }
0x93: {  	s2 =	sld [smem:$0x3FFC];
	_ =	sdelay $0x3  }
0x94: {  	_ =	strace s2  }
0x95: {  	s2 =	sld [smem:$0x3FFD];
	_ =	sdelay $0x3  }
0x96: {  	_ =	strace s2  }
0x97: {  	_ =	strace $0x8FFFFFFF  }
0x98: {  	s20 =	sld [smem:$0x3FDB];
	_ =	sdelay $0x1  }
0x99: {  	s4 =	simm.s32 $_scs_section_size  }
0x9a: {  	s5 =	simm.s32 $_size__tile_overlayer_lowered;
	s6 =	simm.s32 $_tile_overlayer_lowered  }
0x9b: {  	s7 =	simm.s32 $0x1BFF;
	s21 =	sshll.u32 s6, $0x1;
	s4 =	sadd.s32 s4, s20  }
0x9c: {  	s22 =	simm.s32 $0x0;
	s5 =	sshll.u32 s5, $0x1;
	s6 =	sadd.s32 s21, s4  }
0x9d: {  	[timem:s22], [sflag:s7] =	dma.local [hbm:s6], s5  }
0x9e: {  	_ =	swait.ge [sflag:s7], s5  }
0x9f: {  	s5 =	ssub.s32 $0x0, s5;
	[sflag:s7] =	ssyncset.done $0x0  }
0xa0: {  	[sflag:s7] =	ssyncadd.s32 s5;
	_ =	sdelay $0x1  }
0xa1: {  	s23 =	simm.s32 $0x1B8B  }
0xa2: {  	_ =	swait.ge [sflag:s23], $0x1  }
0xa3: {  	[sflag:s23] =	ssyncset.done $0x0  }
0xa4: {  	[sflag:s23] =	ssyncadd.s32 $0xFFFFFFFF  }
0xa5: {  	s5 =	sld [smem:$0x0]  }
0xa6: {  	s6 =	sand.u32 $0xFFFFFFFE, s1  }
0xa7: {  	p0 =	sne.s32 s1, s6  }
0xa8: {  	s6 =	sshll.u32 @p0 s6, $0xE  }
0xa9: {  	s6 =	sadd.s32 @p0 $0x11B8D, s6;
	s7 =	sshll.u32 @p0 s5, $0x11  }
0xaa: {  	s6 =	sor.u32 @p0 s7, s6  }
0xab: {  	[sflag:s6] =	ssyncadd.remote.s32 @p0 $0x1;
	_ =	sdelay $0x1  }
0xac: {  	s6 =	simm.s32 @p0 $0x1B8D  }
0xad: {  	_ =	swait.eq @p0 [sflag:s6], $0x1  }
0xae: {  	[sflag:s6] =	ssyncadd.s32 @p0 $0xFFFFFFFF  }
0xaf: {  	s7 =	sshll.u32 @!p0 s1, $0xE  }
0xb0: {  	s7 =	sor.u32 @!p0 $0x4000, s7;
	s6 =	simm.s32 @!p0 $0x1B8D  }
0xb1: {  	s5 =	sshll.u32 @!p0 s5, $0x11;
	s7 =	sadd.s32 @!p0 $0x11B8D, s7;
	_ =	swait.eq @!p0 [sflag:s6], $0x1  }
0xb2: {  	s5 =	sor.u32 @!p0 s5, s7;
	[sflag:s6] =	ssyncadd.s32 @!p0 $0xFFFFFFFF  }
0xb3: {  	s25 =	simm.s32 $0x1B8E;
	s24 =	sld [smem:$0x3FFE];
	[sflag:s5] =	ssyncadd.remote.s32 @!p0 $0x1  }
0xb4: {  	s26 =	simm.s32 $execute0_lowered;
	[smem:$0x3FD2] =	sst s25  }
0xb5: {  	s6 =	sshll.u32 s26, $0x1;
	_ =	strace $0x80000049;
	[dreg:$0x1] =	wrdreg $0xFFFFFFFF  }
0xb6: {  	s28 =	simm.s32 $_size_execute0_lowered;
	s4 =	sadd.s32 s4, s6;
	[dreg:$0x0] =	wrdreg $0x0  }
0xb7: {  	s6 =	sshll.u32 s28, $0x1;
	[dreg:$0x2] =	wrdreg s4  }
0xb8: {  	[dreg:$0x3] =	wrdreg s6  }
0xb9: {  	[dreg:$0x4] =	wrdreg $0xC0  }
0xba: {  	_ =	task [dreg:s22], $0x5FFFF  }
0xbb: {  	[dreg:$0x1] =	wrdreg $0xFFFFFFFF  }
0xbc: {  	[dreg:$0x0] =	wrdreg $0x60  }
0xbd: {  	[dreg:$0x2] =	wrdreg s18  }
0xbe: {  	[dreg:$0x3] =	wrdreg s24  }
0xbf: {  	[dreg:$0x4] =	wrdreg $0x9  }
0xc0: {  	_ =	task.clear_ibuf [dreg:s22], $0x5FFFF;
	_ =	strace $0x90000049  }
0xc1: {  	s29 =	simm.s32 $0x9;
	_ =	strace $0x8000004B  }
0xc2: {  	_ =	swait.ge [sflag:s29], $0x1  }
0xc3: {  	[sflag:s29] =	ssyncadd.s32 $0xFFFFFFFF  }
0xc4: {  	_ =	strace $0x9000004B  }
0xc5: {  	_ =	sfence  }
0xc6: {  	s30 =	sld [smem:$0x0];
	_ =	sdelay $0x2  }
0xc7: {  	s31 =	sshll.u32 s1, $0xD;
	s1 =	sshrl.u32 s1, $0x2  }
0xc8: {  	s4 =	sand.u32 $0x4000, s31;
	s1 =	sadd.s32 s1, s30  }
0xc9: {  	s0 =	sor.u32 s4, s0;
	s1 =	sshll.u32 s1, $0x11  }
0xca: {  	s0 =	sor.u32 s1, s0  }
0xcb: {  	s0 =	sadd.s32 $0x8F2B, s0  }
0xcc: {  	[sflag:s0] =	ssyncadd.remote.s32 $0x1  }
0xcd: {  	_ =	sfence.sel $0xFFFF  }
0xce: {  	[dreg:$0x0] =	wrdreg $0xFFFFFFFF;
	(pc) =	sbr.abs _section_cstart, $3  }
0xcf: {  	[dreg:$0x1] =	wrdreg $0xFFFFFFFF  }
0xd0: {  	_ =	task.clear_ibuf [dreg:s22], $0x2FFFF;
	_ =	strace $0x9FFFFFFF  }
0xd1: {  	(tm) =	ssettm $0x7FFFFFFF  }
tec
execute0_lowered:
.L_overlay_start_1:
0x0: {  	(tag) =	ssettag $0x1  }
0x1: {  	s1 =	srdreg.scid;
	s2 =	rddreg [dreg:$0x0]  }
0x2: {  	s0 =	stileid.u32;
	s5 =	rddreg [dreg:$0x1]  }
0x3: {  	s18 =	simm.s32 $0x900;
	s19 =	simm.s32 $0x1100;
	s20 =	simm.s32 $0x1900  }
0x4: {  	s21 =	simm.s32 $0x2100;
	s23 =	simm.s32 $0x2900;
	s24 =	simm.s32 $0x3100  }
0x5: {  	s25 =	simm.s32 $0x3900;
	s26 =	simm.s32 $0x4100;
	s8 =	simm.s32 $0x5100  }
0x6: {  	s9 =	simm.s32 $0x5900;
	s10 =	simm.s32 $0x6100;
	s1 =	sand.u32 $0x1, s1  }
0x7: {  	s11 =	simm.s32 $0x6900;
	s3 =	sshll.u32 s0, $0x9;
	s4 =	sshll.u32 s1, $0x8  }
0x8: {  	s12 =	simm.s32 $0x7100;
	s4 =	sor.u32 s4, s3;
	s3 =	simm.s32 $0x0  }
0x9: {  	s13 =	simm.s32 $0x7900;
	s14 =	simm.s32 $0x8100;
	[smem:$0x7FF] =	sst s3  }
0xa: {  	s15 =	simm.s32 $0x8900;
	_ =	strace $0x8000004A;
	[dreg:$0x6] =	wrdreg s18  }
0xb: {  	s28 =	simm.s32 $0xE900;
	s29 =	simm.s32 $0xF100;
	[dreg:$0x7] =	wrdreg s19  }
0xc: {  	s30 =	simm.s32 $0xF900;
	s1 =	ssub.s32 $0x2, s1;
	[dreg:$0x8] =	wrdreg s20  }
0xd: {  	s31 =	simm.s32 $0x1;
	s22 =	sshrl.u32 s1, $0x1;
	[dreg:$0x9] =	wrdreg s21  }
0xe: {  	s6 =	sshrl.u32 s4, $0x3;
	s4 =	sshll.u32 s4, $0x5;
	[dreg:$0xa] =	wrdreg s23  }
0xf: {  	s1 =	ssub.s32 s1, s22;
	s22 =	simm.s32 $0xC100;
	[dreg:$0xb] =	wrdreg s24  }
0x10: {  	s6 =	sadd.s32 s6, s5;
	s4 =	sadd.s32 s4, s5;
	[dreg:$0xc] =	wrdreg s25  }
0x11: {  	s5 =	simm.s32 $0x3;
	[dreg:$0xd] =	wrdreg s26;
	s18 =	simm.s32 $0xA100  }
0x12: {  	s19 =	simm.s32 $0xA900;
	s20 =	simm.s32 $0xB100;
	s21 =	simm.s32 $0xB900  }
0x13: {  	s23 =	simm.s32 $0xC900;
	s24 =	simm.s32 $0xD100;
	s16 =	sadd.s32 $0x41600, s6  }
0x14: {  	s25 =	simm.s32 $0xD900;
	s17 =	sadd.s32 $0x41A00, s4;
	[dreg:$0x3] =	wrdreg s16  }
0x15: {  	v2 =	vlaneseq.u32;
	s26 =	simm.s32 $0xE100;
	s4 =	sadd.s32 $0x42A00, s4;
	[dreg:$0x4] =	wrdreg s17  }
0x16: {  	vm0 =	vmmov $0xffff;
	v1 =	vshrl.u32 v2, $0x3;
	s6 =	simm.s32 $0x100;
	[dreg:$0x5] =	wrdreg s4;
	s4 =	smax.u32 s1, $0x1  }
0x17: {  	v0 =	vand.u32 $0x7, v2;
	v2 =	vor.u32 $0x8, v2;
	v1 =	vmul.u32 $0x8, v1;
	s16 =	simm.s32 $0x9100;
	s17 =	simm.s32 $0x9900;
	s1 =	simm.s32 $0x2  }
.LBB2_1:
0x18: {  	s0 =	rddreg [dreg:$0x3]  }
0x19: {  	[tilespmem:s3], [sflag:$0x3] =	stream.linear.gather [hbm4b:s0+s3], $0x100, $0x38;
	[tilespmem:$0x10100] =	vst v63  }
0x1a: {  	_ =	swait.ge [sflag:s5], $0x100  }
0x1b: {  	[sflag:s5] =	ssyncset.done $0x0  }
0x1c: {  	[sflag:s5] =	ssyncadd.s32 $0xFFFFFF00  }
0x1d: {  	v3 =	vld [tilespmem:$0x0];
	_ =	sdelay $0x4  }
0x1e: {  	v4 =	vshll.u32 v3, $0x1  }
0x1f: {  	v3 =	vand.u32 $0x7, v3;
	v4 =	vand.u32 $0xFFFFFFF0, v4  }
0x20: {  	v3 =	vor.u32 v3, v4  }
0x21: {  	v4 =	vperm.xlane v3, v0;
	_ =	sdelay $0x1  }
0x22: {  	v3 =	vperm.xlane v3, v2;
	v4 =	vadd.s32 v1, v4;
	_ =	sdelay $0x1  }
0x23: {  	v3 =	vadd.s32 v1, v3;
	_ =	sdelay $0x2  }
0x24: {  	[tilespmem:s6], [sflag:$0x1] =	stream.indirect_vreg.gather [hbm4b:s2+s3], $0x80, v4, vm0, $0xb8;
	[tilespmem:$0x10100] =	vst v63  }
0x25: {  	s7 =	rddreg [dreg:$0x6]  }
0x26: {  	[tilespmem:s7], [sflag:$0x1] =	stream.indirect_vreg.gather [hbm4b:s2+s3], $0x80, v3, vm0, $0xb8;
	[tilespmem:$0x10100] =	vst v63  }
0x27: {  	v3 =	vld [tilespmem:$0x10];
	_ =	sdelay $0x4  }
0x28: {  	v49 =	vshll.u32 v3, $0x1  }
0x29: {  	v3 =	vand.u32 $0x7, v3;
	v4 =	vand.u32 $0xFFFFFFF0, v49  }
0x2a: {  	v3 =	vor.u32 v3, v4  }
0x2b: {  	v4 =	vperm.xlane v3, v0;
	_ =	sdelay $0x1  }
0x2c: {  	v3 =	vperm.xlane v3, v2;
	v4 =	vadd.s32 v1, v4;
	_ =	sdelay $0x1  }
0x2d: {  	v3 =	vadd.s32 v1, v3;
	_ =	sdelay $0x1  }
0x2e: {  	s0 =	rddreg [dreg:$0x7]  }
0x2f: {  	[tilespmem:s0], [sflag:$0x1] =	stream.indirect_vreg.gather [hbm4b:s2+s3], $0x80, v4, vm0, $0xb8;
	[tilespmem:$0x10100] =	vst v63  }
0x30: {  	s7 =	rddreg [dreg:$0x8]  }
0x31: {  	[tilespmem:s7], [sflag:$0x1] =	stream.indirect_vreg.gather [hbm4b:s2+s3], $0x80, v3, vm0, $0xb8;
	[tilespmem:$0x10100] =	vst v63  }
0x32: {  	v3 =	vld [tilespmem:$0x20];
	_ =	sdelay $0x4  }
0x33: {  	v50 =	vshll.u32 v3, $0x1  }
0x34: {  	v3 =	vand.u32 $0x7, v3;
	v4 =	vand.u32 $0xFFFFFFF0, v50  }
0x35: {  	v3 =	vor.u32 v3, v4  }
0x36: {  	v4 =	vperm.xlane v3, v0;
	_ =	sdelay $0x1  }
0x37: {  	v3 =	vperm.xlane v3, v2;
	v4 =	vadd.s32 v1, v4;
	_ =	sdelay $0x1  }
0x38: {  	v3 =	vadd.s32 v1, v3;
	_ =	sdelay $0x1  }
0x39: {  	s0 =	rddreg [dreg:$0x9]  }
0x3a: {  	[tilespmem:s0], [sflag:$0x1] =	stream.indirect_vreg.gather [hbm4b:s2+s3], $0x80, v4, vm0, $0xb8;
	[tilespmem:$0x10100] =	vst v63  }
0x3b: {  	s7 =	rddreg [dreg:$0xa]  }
0x3c: {  	[tilespmem:s7], [sflag:$0x1] =	stream.indirect_vreg.gather [hbm4b:s2+s3], $0x80, v3, vm0, $0xb8;
	[tilespmem:$0x10100] =	vst v63  }
0x3d: {  	v3 =	vld [tilespmem:$0x30];
	_ =	sdelay $0x4  }
0x3e: {  	v51 =	vshll.u32 v3, $0x1  }
0x3f: {  	v3 =	vand.u32 $0x7, v3;
	v4 =	vand.u32 $0xFFFFFFF0, v51  }
0x40: {  	v3 =	vor.u32 v3, v4  }
0x41: {  	v4 =	vperm.xlane v3, v0;
	_ =	sdelay $0x1  }
0x42: {  	v3 =	vperm.xlane v3, v2;
	v4 =	vadd.s32 v1, v4;
	_ =	sdelay $0x1  }
0x43: {  	v3 =	vadd.s32 v1, v3;
	_ =	sdelay $0x1  }
0x44: {  	s0 =	rddreg [dreg:$0xb]  }
0x45: {  	[tilespmem:s0], [sflag:$0x1] =	stream.indirect_vreg.gather [hbm4b:s2+s3], $0x80, v4, vm0, $0xb8;
	[tilespmem:$0x10100] =	vst v63  }
0x46: {  	s7 =	rddreg [dreg:$0xc]  }
0x47: {  	[tilespmem:s7], [sflag:$0x1] =	stream.indirect_vreg.gather [hbm4b:s2+s3], $0x80, v3, vm0, $0xb8;
	[tilespmem:$0x10100] =	vst v63  }
0x48: {  	v3 =	vld [tilespmem:$0x40];
	_ =	sdelay $0x4  }
0x49: {  	v52 =	vshll.u32 v3, $0x1  }
0x4a: {  	v3 =	vand.u32 $0x7, v3;
	v4 =	vand.u32 $0xFFFFFFF0, v52  }
0x4b: {  	v3 =	vor.u32 v3, v4  }
0x4c: {  	v4 =	vperm.xlane v3, v0;
	_ =	sdelay $0x1  }
0x4d: {  	v3 =	vperm.xlane v3, v2;
	v4 =	vadd.s32 v1, v4;
	_ =	sdelay $0x1  }
0x4e: {  	v3 =	vadd.s32 v1, v3;
	_ =	sdelay $0x1  }
0x4f: {  	s7 =	rddreg [dreg:$0xd]  }
0x50: {  	[tilespmem:s7], [sflag:$0x1] =	stream.indirect_vreg.gather [hbm4b:s2+s3], $0x80, v4, vm0, $0xb8;
	[tilespmem:$0x10100] =	vst v63  }
0x51: {  	s7 =	simm.s32 $0x4900  }
0x52: {  	[tilespmem:s7], [sflag:$0x1] =	stream.indirect_vreg.gather [hbm4b:s2+s3], $0x80, v3, vm0, $0xb8;
	[tilespmem:$0x10100] =	vst v63  }
0x53: {  	v3 =	vld [tilespmem:$0x50];
	_ =	sdelay $0x4  }
0x54: {  	v53 =	vshll.u32 v3, $0x1  }
0x55: {  	v3 =	vand.u32 $0x7, v3;
	v4 =	vand.u32 $0xFFFFFFF0, v53  }
0x56: {  	v3 =	vor.u32 v3, v4  }
0x57: {  	v4 =	vperm.xlane v3, v0;
	_ =	sdelay $0x1  }
0x58: {  	v3 =	vperm.xlane v3, v2;
	v4 =	vadd.s32 v1, v4;
	_ =	sdelay $0x1  }
0x59: {  	v3 =	vadd.s32 v1, v3;
	_ =	sdelay $0x2  }
0x5a: {  	[tilespmem:s8], [sflag:$0x1] =	stream.indirect_vreg.gather [hbm4b:s2+s3], $0x80, v4, vm0, $0xb8;
	[tilespmem:$0x10100] =	vst v63  }
0x5b: {  	_ = 	snop  }
0x5c: {  	[tilespmem:s9], [sflag:$0x1] =	stream.indirect_vreg.gather [hbm4b:s2+s3], $0x80, v3, vm0, $0xb8;
	[tilespmem:$0x10100] =	vst v63  }
0x5d: {  	v3 =	vld [tilespmem:$0x60];
	_ =	sdelay $0x4  }
0x5e: {  	v54 =	vshll.u32 v3, $0x1  }
0x5f: {  	v3 =	vand.u32 $0x7, v3;
	v4 =	vand.u32 $0xFFFFFFF0, v54  }
0x60: {  	v3 =	vor.u32 v3, v4  }
0x61: {  	v4 =	vperm.xlane v3, v0;
	_ =	sdelay $0x1  }
0x62: {  	v3 =	vperm.xlane v3, v2;
	v4 =	vadd.s32 v1, v4;
	_ =	sdelay $0x1  }
0x63: {  	v3 =	vadd.s32 v1, v3;
	_ =	sdelay $0x2  }
0x64: {  	[tilespmem:s10], [sflag:$0x1] =	stream.indirect_vreg.gather [hbm4b:s2+s3], $0x80, v4, vm0, $0xb8;
	[tilespmem:$0x10100] =	vst v63  }
0x65: {  	_ = 	snop  }
0x66: {  	[tilespmem:s11], [sflag:$0x1] =	stream.indirect_vreg.gather [hbm4b:s2+s3], $0x80, v3, vm0, $0xb8;
	[tilespmem:$0x10100] =	vst v63  }
0x67: {  	v3 =	vld [tilespmem:$0x70];
	_ =	sdelay $0x4  }
0x68: {  	v55 =	vshll.u32 v3, $0x1  }
0x69: {  	v3 =	vand.u32 $0x7, v3;
	v4 =	vand.u32 $0xFFFFFFF0, v55  }
0x6a: {  	v3 =	vor.u32 v3, v4  }
0x6b: {  	v4 =	vperm.xlane v3, v0;
	_ =	sdelay $0x1  }
0x6c: {  	v3 =	vperm.xlane v3, v2;
	v4 =	vadd.s32 v1, v4;
	_ =	sdelay $0x1  }
0x6d: {  	v3 =	vadd.s32 v1, v3;
	_ =	sdelay $0x2  }
0x6e: {  	[tilespmem:s12], [sflag:$0x1] =	stream.indirect_vreg.gather [hbm4b:s2+s3], $0x80, v4, vm0, $0xb8;
	[tilespmem:$0x10100] =	vst v63  }
0x6f: {  	_ = 	snop  }
0x70: {  	[tilespmem:s13], [sflag:$0x1] =	stream.indirect_vreg.gather [hbm4b:s2+s3], $0x80, v3, vm0, $0xb8;
	[tilespmem:$0x10100] =	vst v63  }
0x71: {  	v3 =	vld [tilespmem:$0x80];
	_ =	sdelay $0x4  }
0x72: {  	v56 =	vshll.u32 v3, $0x1  }
0x73: {  	v3 =	vand.u32 $0x7, v3;
	v4 =	vand.u32 $0xFFFFFFF0, v56  }
0x74: {  	v3 =	vor.u32 v3, v4  }
0x75: {  	v4 =	vperm.xlane v3, v0;
	_ =	sdelay $0x1  }
0x76: {  	v3 =	vperm.xlane v3, v2;
	v4 =	vadd.s32 v1, v4;
	_ =	sdelay $0x1  }
0x77: {  	v3 =	vadd.s32 v1, v3;
	_ =	sdelay $0x2  }
0x78: {  	[tilespmem:s14], [sflag:$0x2] =	stream.indirect_vreg.gather [hbm4b:s2+s3], $0x80, v4, vm0, $0xb8;
	[tilespmem:$0x10100] =	vst v63  }
0x79: {  	_ = 	snop  }
0x7a: {  	[tilespmem:s15], [sflag:$0x2] =	stream.indirect_vreg.gather [hbm4b:s2+s3], $0x80, v3, vm0, $0xb8;
	[tilespmem:$0x10100] =	vst v63  }
0x7b: {  	v3 =	vld [tilespmem:$0x90];
	_ =	sdelay $0x4  }
0x7c: {  	v57 =	vshll.u32 v3, $0x1  }
0x7d: {  	v3 =	vand.u32 $0x7, v3;
	v4 =	vand.u32 $0xFFFFFFF0, v57  }
0x7e: {  	v3 =	vor.u32 v3, v4  }
0x7f: {  	v4 =	vperm.xlane v3, v0;
	_ =	sdelay $0x1  }
0x80: {  	v3 =	vperm.xlane v3, v2;
	v4 =	vadd.s32 v1, v4;
	_ =	sdelay $0x1  }
0x81: {  	v3 =	vadd.s32 v1, v3;
	_ =	sdelay $0x2  }
0x82: {  	[tilespmem:s16], [sflag:$0x2] =	stream.indirect_vreg.gather [hbm4b:s2+s3], $0x80, v4, vm0, $0xb8;
	[tilespmem:$0x10100] =	vst v63  }
0x83: {  	_ = 	snop  }
0x84: {  	[tilespmem:s17], [sflag:$0x2] =	stream.indirect_vreg.gather [hbm4b:s2+s3], $0x80, v3, vm0, $0xb8;
	[tilespmem:$0x10100] =	vst v63  }
0x85: {  	v3 =	vld [tilespmem:$0xA0];
	_ =	sdelay $0x4  }
0x86: {  	v58 =	vshll.u32 v3, $0x1  }
0x87: {  	v3 =	vand.u32 $0x7, v3;
	v4 =	vand.u32 $0xFFFFFFF0, v58  }
0x88: {  	v3 =	vor.u32 v3, v4  }
0x89: {  	v4 =	vperm.xlane v3, v0;
	_ =	sdelay $0x1  }
0x8a: {  	v3 =	vperm.xlane v3, v2;
	v4 =	vadd.s32 v1, v4;
	_ =	sdelay $0x1  }
0x8b: {  	v3 =	vadd.s32 v1, v3;
	_ =	sdelay $0x2  }
0x8c: {  	[tilespmem:s18], [sflag:$0x2] =	stream.indirect_vreg.gather [hbm4b:s2+s3], $0x80, v4, vm0, $0xb8;
	[tilespmem:$0x10100] =	vst v63  }
0x8d: {  	_ = 	snop  }
0x8e: {  	[tilespmem:s19], [sflag:$0x2] =	stream.indirect_vreg.gather [hbm4b:s2+s3], $0x80, v3, vm0, $0xb8;
	[tilespmem:$0x10100] =	vst v63  }
0x8f: {  	v3 =	vld [tilespmem:$0xB0];
	_ =	sdelay $0x4  }
0x90: {  	v59 =	vshll.u32 v3, $0x1  }
0x91: {  	v3 =	vand.u32 $0x7, v3;
	v4 =	vand.u32 $0xFFFFFFF0, v59  }
0x92: {  	v3 =	vor.u32 v3, v4  }
0x93: {  	v4 =	vperm.xlane v3, v0;
	_ =	sdelay $0x1  }
0x94: {  	v3 =	vperm.xlane v3, v2;
	v4 =	vadd.s32 v1, v4;
	_ =	sdelay $0x1  }
0x95: {  	v3 =	vadd.s32 v1, v3;
	_ =	sdelay $0x2  }
0x96: {  	[tilespmem:s20], [sflag:$0x2] =	stream.indirect_vreg.gather [hbm4b:s2+s3], $0x80, v4, vm0, $0xb8;
	[tilespmem:$0x10100] =	vst v63  }
0x97: {  	_ = 	snop  }
0x98: {  	[tilespmem:s21], [sflag:$0x2] =	stream.indirect_vreg.gather [hbm4b:s2+s3], $0x80, v3, vm0, $0xb8;
	[tilespmem:$0x10100] =	vst v63  }
0x99: {  	v3 =	vld [tilespmem:$0xC0];
	_ =	sdelay $0x4  }
0x9a: {  	v60 =	vshll.u32 v3, $0x1  }
0x9b: {  	v3 =	vand.u32 $0x7, v3;
	v4 =	vand.u32 $0xFFFFFFF0, v60  }
0x9c: {  	v3 =	vor.u32 v3, v4  }
0x9d: {  	v4 =	vperm.xlane v3, v0;
	_ =	sdelay $0x1  }
0x9e: {  	v3 =	vperm.xlane v3, v2;
	v4 =	vadd.s32 v1, v4;
	_ =	sdelay $0x1  }
0x9f: {  	v3 =	vadd.s32 v1, v3;
	_ =	sdelay $0x2  }
0xa0: {  	[tilespmem:s22], [sflag:$0x2] =	stream.indirect_vreg.gather [hbm4b:s2+s3], $0x80, v4, vm0, $0xb8;
	[tilespmem:$0x10100] =	vst v63  }
0xa1: {  	_ = 	snop  }
0xa2: {  	[tilespmem:s23], [sflag:$0x2] =	stream.indirect_vreg.gather [hbm4b:s2+s3], $0x80, v3, vm0, $0xb8;
	[tilespmem:$0x10100] =	vst v63  }
0xa3: {  	v3 =	vld [tilespmem:$0xD0];
	_ =	sdelay $0x4  }
0xa4: {  	v61 =	vshll.u32 v3, $0x1  }
0xa5: {  	v3 =	vand.u32 $0x7, v3;
	v4 =	vand.u32 $0xFFFFFFF0, v61  }
0xa6: {  	v3 =	vor.u32 v3, v4  }
0xa7: {  	v4 =	vperm.xlane v3, v0;
	_ =	sdelay $0x1  }
0xa8: {  	v3 =	vperm.xlane v3, v2;
	v4 =	vadd.s32 v1, v4;
	_ =	sdelay $0x1  }
0xa9: {  	v3 =	vadd.s32 v1, v3;
	_ =	sdelay $0x2  }
0xaa: {  	[tilespmem:s24], [sflag:$0x2] =	stream.indirect_vreg.gather [hbm4b:s2+s3], $0x80, v4, vm0, $0xb8;
	[tilespmem:$0x10100] =	vst v63  }
0xab: {  	_ = 	snop  }
0xac: {  	[tilespmem:s25], [sflag:$0x2] =	stream.indirect_vreg.gather [hbm4b:s2+s3], $0x80, v3, vm0, $0xb8;
	[tilespmem:$0x10100] =	vst v63  }
0xad: {  	v3 =	vld [tilespmem:$0xE0];
	_ =	sdelay $0x4  }
0xae: {  	v62 =	vshll.u32 v3, $0x1  }
0xaf: {  	v3 =	vand.u32 $0x7, v3;
	v4 =	vand.u32 $0xFFFFFFF0, v62  }
0xb0: {  	v3 =	vor.u32 v3, v4  }
0xb1: {  	v4 =	vperm.xlane v3, v0;
	_ =	sdelay $0x1  }
0xb2: {  	v3 =	vperm.xlane v3, v2;
	v4 =	vadd.s32 v1, v4;
	_ =	sdelay $0x1  }
0xb3: {  	v3 =	vadd.s32 v1, v3;
	_ =	sdelay $0x2  }
0xb4: {  	[tilespmem:s26], [sflag:$0x2] =	stream.indirect_vreg.gather [hbm4b:s2+s3], $0x80, v4, vm0, $0xb8;
	[tilespmem:$0x10100] =	vst v63  }
0xb5: {  	_ = 	snop  }
0xb6: {  	[tilespmem:s28], [sflag:$0x2] =	stream.indirect_vreg.gather [hbm4b:s2+s3], $0x80, v3, vm0, $0xb8;
	[tilespmem:$0x10100] =	vst v63  }
0xb7: {  	v3 =	vld [tilespmem:$0xF0];
	_ =	sdelay $0x4  }
0xb8: {  	v63 =	vshll.u32 v3, $0x1  }
0xb9: {  	v3 =	vand.u32 $0x7, v3;
	v4 =	vand.u32 $0xFFFFFFF0, v63  }
0xba: {  	v3 =	vor.u32 v3, v4  }
0xbb: {  	v4 =	vperm.xlane v3, v0;
	_ =	sdelay $0x1  }
0xbc: {  	v3 =	vperm.xlane v3, v2;
	v4 =	vadd.s32 v1, v4;
	_ =	sdelay $0x1  }
0xbd: {  	v3 =	vadd.s32 v1, v3;
	_ =	sdelay $0x2  }
0xbe: {  	[tilespmem:s29], [sflag:$0x2] =	stream.indirect_vreg.gather [hbm4b:s2+s3], $0x80, v4, vm0, $0xb8;
	[tilespmem:$0x10100] =	vst v63  }
0xbf: {  	_ = 	snop  }
0xc0: {  	[tilespmem:s30], [sflag:$0x2] =	stream.indirect_vreg.gather [hbm4b:s2+s3], $0x80, v3, vm0, $0xb8;
	[tilespmem:$0x10100] =	vst v63  }
0xc1: {  	_ =	swait.ge [sflag:s31], $0x8000  }
0xc2: {  	[sflag:s31] =	ssyncset.done $0x0  }
0xc3: {  	s7 =	rddreg [dreg:$0x4];
	[sflag:s31] =	ssyncadd.s32 $0xFFFF8000  }
0xc4: {  	[hbm4b:s7+s3] =	stream.linear.scatter [tilespmem:s6], [sflag:$0x3], $0x8000, $0x38;
	[tilespmem:$0x10100] =	vst v63  }
0xc5: {  	_ =	swait.ge [sflag:s5], $0x8000  }
0xc6: {  	[sflag:s5] =	ssyncset.done $0x0  }
0xc7: {  	[sflag:s5] =	ssyncadd.s32 $0xFFFF8000  }
0xc8: {  	_ =	swait.ge [sflag:s1], $0x8000  }
0xc9: {  	p0 =	sne.s32 s4, $0x1;
	[sflag:s1] =	ssyncset.done $0x0  }
.Ltmp0:
0xca: {  	s7 =	rddreg [dreg:$0x5];
	[sflag:s1] =	ssyncadd.s32 $0xFFFF8000;
	(pc) =	sbr.rel @p0 .LBB2_1-.Ltmp0, $4  }
0xcb: {  	[hbm4b:s7+s3] =	stream.linear.scatter [tilespmem:s14], [sflag:$0x3], $0x8000, $0x38;
	[tilespmem:$0x10100] =	vst v63  }
0xcc: {  	_ =	swait.ge [sflag:s5], $0x8000  }
0xcd: {  	[sflag:s5] =	ssyncset.done $0x0  }
0xce: {  	s4 =	sadd.s32 $0xFFFFFFFF, s4;
	[sflag:s5] =	ssyncadd.s32 $0xFFFF8000  }
0xcf: {  	_ =	sfence.sel $0x180000  }
0xd0: {  	[bflag:$0x0] =	sbarrier.arrive $0xFFFF  }
0xd1: {  	_ =	strace $0x9000004A  }
0xd2: {  	s0 =	stileid.u32;
	[bflag:$0x2] =	sbarrier.arrive $0xFFFF  }
0xd3: {  	p0 =	sne.s32 s0, $0x0;
	s0 =	rddreg [dreg:$0x2]  }
0xd4: {  	s0 =	sadd.s32 @!p0 $0x100000, s0  }
0xd5: {  	[sflag:s0] =	ssyncadd.tile.s32 @!p0 $0x1;
	_ =	shalt  }
.Lfunc_end2:
_tile_overlayer_lowered:
.L_overlay_start_2:
0xd6: {  	(tag) =	ssettag $0x2  }
0xd7: {  	s0 =	rddreg [dreg:$0x0];
	s2 =	stileid.u32  }
0xd8: {  	s1 =	rddreg [dreg:$0x1];
	p0 =	sne.s32 s2, $0x0  }
0xd9: {  	s3 =	rddreg [dreg:$0x2];
	[bflag:$0x3] =	sbarrier.arrive $0xFFFF;
	s2 =	simm.s32 @!p0 $0x1C03  }
0xda: {  	[timem:s3], [sflag:s2] =	dma.local @!p0 [hbm:s0], s1  }
0xdb: {  	s0 =	simm.s32 @!p0 $0x3  }
0xdc: {  	_ =	swait.ge @!p0 [sflag:s0], s1  }
0xdd: {  	s1 =	ssub.s32 @!p0 $0x0, s1;
	[sflag:s0] =	ssyncset.done @!p0 $0x0  }
0xde: {  	[sflag:s0] =	ssyncadd.s32 @!p0 s1  }
0xdf: {  	[bflag:$0x3] =	sbarrier.arrive $0xFFFF  }
0xe0: {  	_ =	shalt  }

// kernel: kernel.9.cloned.1.call-start
scs
__scs_entry_jumppad:
0x0: {  	(pc) =	sbr.rel $0x88, $3  }
0x1: {  	(tag) =	ssettag $0x0;
	lr =	simm.s32 $0x1  }
0x2: {  	[smem:$0x3F97] =	sst lr;
	_ =	strace $0xD0000000  }
0x3: {  	_ = 	snop  }
0x4: {  	_ = 	snop  }
0x5: {  	_ = 	snop  }
0x6: {  	_ = 	snop  }
0x7: {  	_ = 	snop  }
__scs_overlays_trampoline_lowered:
0x8: {  	[smem:$0x3FA6] =	sst s0  }
0x9: {  	[smem:$0x3FA7] =	sst s1  }
0xa: {  	[smem:$0x3FA8] =	sst s2  }
0xb: {  	[smem:$0x3FA9] =	sst s3  }
0xc: {  	[smem:$0x3FAA] =	sst s4  }
0xd: {  	[smem:$0x3FAB] =	sst s5  }
0xe: {  	[smem:$0x3FAC] =	sst s6  }
0xf: {  	[smem:$0x3FAD] =	sst s7  }
0x10: {  	[smem:$0x3FAE] =	sst s8  }
0x11: {  	[smem:$0x3FAF] =	sst s9;
	s0 =	simm.s32 @!p0 $0x0  }
0x12: {  	s1 =	sld [smem:$0x3F95];
	s0 =	simm.s32 @p0 $0x1  }
0x13: {  	[smem:$0x3FB0] =	sst s0;
	s0 =	simm.s32 @!p1 $0x0  }
0x14: {  	s2 =	sld [smem:$0x3F94];
	s0 =	simm.s32 @p1 $0x1  }
0x15: {  	[smem:$0x3FB1] =	sst s0;
	s0 =	simm.s32 @!p2 $0x0  }
0x16: {  	s3 =	sld [smem:$0x3FDB];
	s0 =	simm.s32 @p2 $0x1  }
0x17: {  	s4 =	simm.s32 $0x1BF5;
	[smem:$0x3FB3] =	sst s0  }
0x18: {  	s0 =	sld [smem:$0x3F96];
	_ =	swait.ge [sflag:s4], $0x0  }
0x19: {  	s7 =	sld [smem:$0x3F97]  }
0x1a: {  	s8 =	sadd.s32 $0xFFFFE003, lr  }
0x1b: {  	s9 =	sadd.s32 $0xFFFFFEF7, lr;
	s5 =	simm.s32 $0xFFFFFFFF;
	p2 =	slt.u32 s8, $0xFFFFF086  }
0x1c: {  	p1 =	slt.u32 s9, $0xF7A;
	s5 =	simm.s32 @!p2 $0x0  }
0x1d: {  	s5 =	simm.s32 @p1 $0x1;
	p0 =	seq.s32 s7, s2  }
0x1e: {  	s7 =	smul.u32 @!p0 $0xF7A, s2;
	p2 =	seq.s32 @!p0 s5, $0x0  }
0x1f: {  	s9 =	smul.u32 $0xF7A, s1;
	s8 =	simm.s32 @!p0 $0x1BF5;
	p2 =	por !p2, p0  }
0x20: {  	[sflag:s8] =	ssyncset.s32 @!p0 $0xFFFFF086;
	s6 =	sadd.s32 @!p0 s3, s7;
	s7 =	simm.s32 @!p0 $0x108  }
0x21: {  	s3 =	sadd.s32 s3, s9;
	s6 =	sadd.s32 @!p0 $0x88, s6;
	s7 =	simm.s32 @p2 $0x1082  }
0x22: {  	[simem:s7], [sflag:s8] =	dma.local @!p0 [hbm:s6], $0xF7A  }
0x23: {  	s9 =	sor.u32 $0xD0000000, s2;
	s6 =	simm.s32 $0x108;
	_ =	swait.ge @!p0 [sflag:s8], $0x0  }
0x24: {  	s3 =	sadd.s32 $0x88, s3;
	s6 =	simm.s32 @!p1 $0x1082;
	[sflag:s4] =	ssyncset.s32 $0xFFFFF086  }
0x25: {  	[simem:s6], [sflag:s4] =	dma.local [hbm:s3], $0xF7A  }
0x26: {  	[smem:$0x3F97] =	sst s1;
	(tag) =	ssettag s2;
	_ =	strace s9  }
0x27: {  	s1 =	sld [smem:$0x3FA7]  }
0x28: {  	s2 =	sld [smem:$0x3FA8]  }
0x29: {  	s4 =	sld [smem:$0x3FAA]  }
0x2a: {  	p0 =	seq.s32 s5, $0x0;
	s5 =	sld [smem:$0x3FAB]  }
0x2b: {  	s6 =	sld [smem:$0x3FAC]  }
0x2c: {  	s7 =	sld [smem:$0x3FAD]  }
0x2d: {  	s3 =	simm.s32 $0x108;
	s8 =	sld [smem:$0x3FAE]  }
0x2e: {  	s3 =	simm.s32 @!p0 $0x1082;
	s9 =	sld [smem:$0x3FAF]  }
0x2f: {  	lr =	sadd.s32 s0, s3;
	s0 =	sld [smem:$0x3FA6]  }
0x30: {  	s3 =	sld [smem:$0x3FA9]  }
0x31: {  	[smem:$0x3FB2] =	sst s10  }
0x32: {  	s10 =	sld [smem:$0x3FB0];
	_ =	sdelay $0x3  }
0x33: {  	p0 =	seq.s32 s10, $0x1;
	s10 =	sld [smem:$0x3FB2];
	_ =	sdelay $0x3  }
0x34: {  	[smem:$0x3FB2] =	sst s10  }
0x35: {  	s10 =	sld [smem:$0x3FB1];
	_ =	sdelay $0x3  }
0x36: {  	p1 =	seq.s32 s10, $0x1;
	s10 =	sld [smem:$0x3FB2];
	_ =	sdelay $0x3  }
0x37: {  	[smem:$0x3FB2] =	sst s10  }
0x38: {  	s10 =	sld [smem:$0x3FB3]  }
0x39: {  	_ = 	snop;
	(pc) =	sbr.ind lr, $3  }
0x3a: {  	_ = 	snop  }
0x3b: {  	_ = 	snop  }
0x3c: {  	p2 =	seq.s32 s10, $0x1;
	s10 =	sld [smem:$0x3FB2]  }
0x3d: {  	_ =	shalt  }
0x3e: {  	_ =	shalt  }
0x3f: {  	_ =	shalt  }
0x40: {  	_ =	shalt  }
0x41: {  	_ =	shalt  }
0x42: {  	_ =	shalt  }
0x43: {  	_ =	shalt  }
0x44: {  	_ =	shalt  }
0x45: {  	_ =	shalt  }
0x46: {  	_ =	shalt  }
0x47: {  	_ =	shalt  }
0x48: {  	_ =	shalt  }
0x49: {  	_ =	shalt  }
0x4a: {  	_ =	shalt  }
0x4b: {  	_ =	shalt  }
0x4c: {  	_ =	shalt  }
0x4d: {  	_ =	shalt  }
0x4e: {  	_ =	shalt  }
0x4f: {  	_ =	shalt  }
0x50: {  	_ =	shalt  }
0x51: {  	_ =	shalt  }
0x52: {  	_ =	shalt  }
0x53: {  	_ =	shalt  }
0x54: {  	_ =	shalt  }
0x55: {  	_ =	shalt  }
0x56: {  	_ =	shalt  }
0x57: {  	_ =	shalt  }
0x58: {  	_ =	shalt  }
0x59: {  	_ =	shalt  }
0x5a: {  	_ =	shalt  }
0x5b: {  	_ =	shalt  }
0x5c: {  	_ =	shalt  }
0x5d: {  	_ =	shalt  }
0x5e: {  	_ =	shalt  }
0x5f: {  	_ =	shalt  }
0x60: {  	_ =	shalt  }
0x61: {  	_ =	shalt  }
0x62: {  	_ =	shalt  }
0x63: {  	_ =	shalt  }
0x64: {  	_ =	shalt  }
0x65: {  	_ =	shalt  }
0x66: {  	_ =	shalt  }
0x67: {  	_ =	shalt  }
0x68: {  	_ =	shalt  }
0x69: {  	_ =	shalt  }
0x6a: {  	_ =	shalt  }
0x6b: {  	_ =	shalt  }
0x6c: {  	_ =	shalt  }
0x6d: {  	_ =	shalt  }
0x6e: {  	_ =	shalt  }
0x6f: {  	_ =	shalt  }
0x70: {  	_ =	shalt  }
0x71: {  	_ =	shalt  }
0x72: {  	_ =	shalt  }
0x73: {  	_ =	shalt  }
0x74: {  	_ =	shalt  }
0x75: {  	_ =	shalt  }
0x76: {  	_ =	shalt  }
0x77: {  	_ =	shalt  }
0x78: {  	_ =	shalt  }
0x79: {  	_ =	shalt  }
0x7a: {  	_ =	shalt  }
0x7b: {  	_ =	shalt  }
0x7c: {  	_ =	shalt  }
0x7d: {  	_ =	shalt  }
0x7e: {  	_ =	shalt  }
0x7f: {  	_ =	shalt  }
0x80: {  	_ =	shalt  }
0x81: {  	_ =	shalt  }
0x82: {  	_ =	shalt  }
0x83: {  	_ =	shalt  }
0x84: {  	_ =	shalt  }
0x85: {  	_ =	shalt  }
0x86: {  	_ =	shalt  }
0x87: {  	_ =	shalt  }
.Lfunc_end0:
.L_simem_size_0:
called_computation.1_lowered:
.L_overlay_start_0:
0x88: {  	s2 =	sld [smem:$0x3FD9]  }
0x89: {  	s3 =	sld [smem:$0x3FFE];
	_ =	sdelay $0x1  }
0x8a: {  	s1 =	srdreg.scid  }
0x8b: {  	s0 =	sand.u32 $0x1, s1  }
0x8c: {  	s17 =	sshll.u32 s0, $0xA;
	s2 =	sadd.s32 s3, s2  }
0x8d: {  	s2 =	sadd.s32 s2, s17  }
0x8e: {  	[smem:$0x3FBE] =	sst s2  }
0x8f: {  	_ = 	snop  }
0x90: {  	s2 =	sld [smem:$0x3FC9];
	(tm) =	ssettm $0x1  }
0x91: {  	s18 =	sld [smem:$0x3FFB];
	_ =	sdelay $0x3  }
0x92: {  	_ =	strace s18  }
0x93: {  	s3 =	sld [smem:$0x3FFC];
	_ =	sdelay $0x3  }
0x94: {  	_ =	strace s3  }
0x95: {  	s3 =	sld [smem:$0x3FFD];
	_ =	sdelay $0x3  }
0x96: {  	_ =	strace s3  }
0x97: {  	_ =	strace $0x8FFFFFFF  }
0x98: {  	s19 =	sld [smem:$0x3FDB];
	_ =	sdelay $0x1  }
0x99: {  	s4 =	simm.s32 $_scs_section_size  }
0x9a: {  	s5 =	simm.s32 $_size__tile_overlayer_lowered;
	s6 =	simm.s32 $_tile_overlayer_lowered  }
0x9b: {  	s22 =	simm.s32 $0x1BFF;
	s21 =	sshll.u32 s6, $0x1;
	s3 =	sadd.s32 s4, s19  }
0x9c: {  	s7 =	simm.s32 $0x0;
	s20 =	sshll.u32 s5, $0x1;
	s5 =	sadd.s32 s21, s3  }
0x9d: {  	[timem:s7], [sflag:s22] =	dma.local [hbm:s5], s20  }
0x9e: {  	_ =	swait.ge [sflag:s22], s20  }
0x9f: {  	s4 =	ssub.s32 $0x0, s20;
	[sflag:s22] =	ssyncset.done $0x0  }
0xa0: {  	[sflag:s22] =	ssyncadd.s32 s4;
	_ =	sdelay $0x1  }
0xa1: {  	s23 =	simm.s32 $0x1B8B  }
0xa2: {  	_ =	swait.ge [sflag:s23], $0x1  }
0xa3: {  	[sflag:s23] =	ssyncset.done $0x0  }
0xa4: {  	s25 =	simm.s32 $0x1B8E;
	s24 =	sld [smem:$0x3FFE];
	[sflag:s23] =	ssyncadd.s32 $0xFFFFFFFF  }
0xa5: {  	s26 =	simm.s32 $execute0_lowered;
	[smem:$0x3FD2] =	sst s25  }
0xa6: {  	s5 =	sshll.u32 s26, $0x1;
	_ =	strace $0x80000046;
	[dreg:$0x1] =	wrdreg $0xFFFFFFFF  }
0xa7: {  	s28 =	simm.s32 $_size_execute0_lowered;
	s3 =	sadd.s32 s3, s5;
	[dreg:$0x0] =	wrdreg $0x0  }
0xa8: {  	s5 =	sshll.u32 s28, $0x1;
	[dreg:$0x2] =	wrdreg s3  }
0xa9: {  	[dreg:$0x3] =	wrdreg s5  }
0xaa: {  	[dreg:$0x4] =	wrdreg $0xC0  }
0xab: {  	_ =	task [dreg:s7], $0x5FFFF  }
0xac: {  	[dreg:$0x1] =	wrdreg $0xFFFFFFFF  }
0xad: {  	[dreg:$0x0] =	wrdreg $0x60  }
0xae: {  	[dreg:$0x2] =	wrdreg s2  }
0xaf: {  	[dreg:$0x3] =	wrdreg s24  }
0xb0: {  	[dreg:$0x4] =	wrdreg $0xA  }
0xb1: {  	_ =	task.clear_ibuf [dreg:s7], $0x5FFFF;
	_ =	strace $0x90000046  }
0xb2: {  	s29 =	simm.s32 $0xA;
	_ =	strace $0x80000048  }
0xb3: {  	_ =	swait.ge [sflag:s29], $0x1  }
0xb4: {  	[sflag:s29] =	ssyncadd.s32 $0xFFFFFFFF  }
0xb5: {  	_ =	strace $0x90000048  }
0xb6: {  	_ =	sfence  }
0xb7: {  	s30 =	sld [smem:$0x0];
	_ =	sdelay $0x2  }
0xb8: {  	s31 =	sshll.u32 s1, $0xD;
	s1 =	sshrl.u32 s1, $0x2  }
0xb9: {  	s3 =	sand.u32 $0x4000, s31;
	s1 =	sadd.s32 s1, s30  }
0xba: {  	s0 =	sor.u32 s3, s0;
	s1 =	sshll.u32 s1, $0x11  }
0xbb: {  	s0 =	sor.u32 s1, s0  }
0xbc: {  	s0 =	sadd.s32 $0x8F2B, s0  }
0xbd: {  	[sflag:s0] =	ssyncadd.remote.s32 $0x1  }
0xbe: {  	_ =	sfence.sel $0xFFFF  }
0xbf: {  	[dreg:$0x0] =	wrdreg $0xFFFFFFFF;
	(pc) =	sbr.abs _section_cstart, $3  }
0xc0: {  	[dreg:$0x1] =	wrdreg $0xFFFFFFFF  }
0xc1: {  	_ =	task.clear_ibuf [dreg:s7], $0x2FFFF;
	_ =	strace $0x9FFFFFFF  }
0xc2: {  	(tm) =	ssettm $0x7FFFFFFF  }
0xc3: {  	_ =	shalt  }
tec
execute0_lowered:
.L_overlay_start_1:
0x0: {  	(tag) =	ssettag $0x1  }
0x1: {  	s1 =	srdreg.scid;
	s2 =	rddreg [dreg:$0x0]  }
0x2: {  	s0 =	stileid.u32;
	s5 =	rddreg [dreg:$0x1]  }
0x3: {  	s18 =	simm.s32 $0x900;
	s19 =	simm.s32 $0x1100;
	s20 =	simm.s32 $0x1900  }
0x4: {  	s21 =	simm.s32 $0x2100;
	s23 =	simm.s32 $0x2900;
	s24 =	simm.s32 $0x3100  }
0x5: {  	s25 =	simm.s32 $0x3900;
	s26 =	simm.s32 $0x4100;
	s8 =	simm.s32 $0x5100  }
0x6: {  	s9 =	simm.s32 $0x5900;
	s10 =	simm.s32 $0x6100;
	s1 =	sand.u32 $0x1, s1  }
0x7: {  	s11 =	simm.s32 $0x6900;
	s3 =	sshll.u32 s0, $0x9;
	s4 =	sshll.u32 s1, $0x8  }
0x8: {  	s12 =	simm.s32 $0x7100;
	s4 =	sor.u32 s4, s3;
	s3 =	simm.s32 $0x0  }
0x9: {  	s13 =	simm.s32 $0x7900;
	s14 =	simm.s32 $0x8100;
	[smem:$0x7FF] =	sst s3  }
0xa: {  	s15 =	simm.s32 $0x8900;
	_ =	strace $0x80000047;
	[dreg:$0x6] =	wrdreg s18  }
0xb: {  	s28 =	simm.s32 $0xE900;
	s29 =	simm.s32 $0xF100;
	[dreg:$0x7] =	wrdreg s19  }
0xc: {  	s30 =	simm.s32 $0xF900;
	s1 =	ssub.s32 $0x2, s1;
	[dreg:$0x8] =	wrdreg s20  }
0xd: {  	s31 =	simm.s32 $0x1;
	s22 =	sshrl.u32 s1, $0x1;
	[dreg:$0x9] =	wrdreg s21  }
0xe: {  	s6 =	sshrl.u32 s4, $0x3;
	s4 =	sshll.u32 s4, $0x5;
	[dreg:$0xa] =	wrdreg s23  }
0xf: {  	s1 =	ssub.s32 s1, s22;
	s22 =	simm.s32 $0xC100;
	[dreg:$0xb] =	wrdreg s24  }
0x10: {  	s6 =	sadd.s32 s6, s5;
	s4 =	sadd.s32 s4, s5;
	[dreg:$0xc] =	wrdreg s25  }
0x11: {  	s5 =	simm.s32 $0x3;
	[dreg:$0xd] =	wrdreg s26;
	s18 =	simm.s32 $0xA100  }
0x12: {  	s19 =	simm.s32 $0xA900;
	s20 =	simm.s32 $0xB100;
	s21 =	simm.s32 $0xB900  }
0x13: {  	s23 =	simm.s32 $0xC900;
	s24 =	simm.s32 $0xD100;
	s16 =	sadd.s32 $0x1200, s6  }
0x14: {  	s25 =	simm.s32 $0xD900;
	s17 =	sadd.s32 $0x1600, s4;
	[dreg:$0x3] =	wrdreg s16  }
0x15: {  	v2 =	vlaneseq.u32;
	s26 =	simm.s32 $0xE100;
	s4 =	sadd.s32 $0x2600, s4;
	[dreg:$0x4] =	wrdreg s17  }
0x16: {  	vm0 =	vmmov $0xffff;
	v1 =	vshrl.u32 v2, $0x3;
	s6 =	simm.s32 $0x100;
	[dreg:$0x5] =	wrdreg s4;
	s4 =	smax.u32 s1, $0x1  }
0x17: {  	v0 =	vand.u32 $0x7, v2;
	v2 =	vor.u32 $0x8, v2;
	v1 =	vmul.u32 $0x8, v1;
	s16 =	simm.s32 $0x9100;
	s17 =	simm.s32 $0x9900;
	s1 =	simm.s32 $0x2  }
.LBB2_1:
0x18: {  	s0 =	rddreg [dreg:$0x3]  }
0x19: {  	[tilespmem:s3], [sflag:$0x3] =	stream.linear.gather [hbm4b:s0+s3], $0x100, $0x38;
	[tilespmem:$0x10100] =	vst v63  }
0x1a: {  	_ =	swait.ge [sflag:s5], $0x100  }
0x1b: {  	[sflag:s5] =	ssyncset.done $0x0  }
0x1c: {  	[sflag:s5] =	ssyncadd.s32 $0xFFFFFF00  }
0x1d: {  	v3 =	vld [tilespmem:$0x0];
	_ =	sdelay $0x4  }
0x1e: {  	v4 =	vshll.u32 v3, $0x1  }
0x1f: {  	v3 =	vand.u32 $0x7, v3;
	v4 =	vand.u32 $0xFFFFFFF0, v4  }
0x20: {  	v3 =	vor.u32 v3, v4  }
0x21: {  	v4 =	vperm.xlane v3, v0;
	_ =	sdelay $0x1  }
0x22: {  	v3 =	vperm.xlane v3, v2;
	v4 =	vadd.s32 v1, v4;
	_ =	sdelay $0x1  }
0x23: {  	v3 =	vadd.s32 v1, v3;
	_ =	sdelay $0x2  }
0x24: {  	[tilespmem:s6], [sflag:$0x1] =	stream.indirect_vreg.gather [hbm4b:s2+s3], $0x80, v4, vm0, $0xb8;
	[tilespmem:$0x10100] =	vst v63  }
0x25: {  	s7 =	rddreg [dreg:$0x6]  }
0x26: {  	[tilespmem:s7], [sflag:$0x1] =	stream.indirect_vreg.gather [hbm4b:s2+s3], $0x80, v3, vm0, $0xb8;
	[tilespmem:$0x10100] =	vst v63  }
0x27: {  	v3 =	vld [tilespmem:$0x10];
	_ =	sdelay $0x4  }
0x28: {  	v49 =	vshll.u32 v3, $0x1  }
0x29: {  	v3 =	vand.u32 $0x7, v3;
	v4 =	vand.u32 $0xFFFFFFF0, v49  }
0x2a: {  	v3 =	vor.u32 v3, v4  }
0x2b: {  	v4 =	vperm.xlane v3, v0;
	_ =	sdelay $0x1  }
0x2c: {  	v3 =	vperm.xlane v3, v2;
	v4 =	vadd.s32 v1, v4;
	_ =	sdelay $0x1  }
0x2d: {  	v3 =	vadd.s32 v1, v3;
	_ =	sdelay $0x1  }
0x2e: {  	s0 =	rddreg [dreg:$0x7]  }
0x2f: {  	[tilespmem:s0], [sflag:$0x1] =	stream.indirect_vreg.gather [hbm4b:s2+s3], $0x80, v4, vm0, $0xb8;
	[tilespmem:$0x10100] =	vst v63  }
0x30: {  	s7 =	rddreg [dreg:$0x8]  }
0x31: {  	[tilespmem:s7], [sflag:$0x1] =	stream.indirect_vreg.gather [hbm4b:s2+s3], $0x80, v3, vm0, $0xb8;
	[tilespmem:$0x10100] =	vst v63  }
0x32: {  	v3 =	vld [tilespmem:$0x20];
	_ =	sdelay $0x4  }
0x33: {  	v50 =	vshll.u32 v3, $0x1  }
0x34: {  	v3 =	vand.u32 $0x7, v3;
	v4 =	vand.u32 $0xFFFFFFF0, v50  }
0x35: {  	v3 =	vor.u32 v3, v4  }
0x36: {  	v4 =	vperm.xlane v3, v0;
	_ =	sdelay $0x1  }
0x37: {  	v3 =	vperm.xlane v3, v2;
	v4 =	vadd.s32 v1, v4;
	_ =	sdelay $0x1  }
0x38: {  	v3 =	vadd.s32 v1, v3;
	_ =	sdelay $0x1  }
0x39: {  	s0 =	rddreg [dreg:$0x9]  }
0x3a: {  	[tilespmem:s0], [sflag:$0x1] =	stream.indirect_vreg.gather [hbm4b:s2+s3], $0x80, v4, vm0, $0xb8;
	[tilespmem:$0x10100] =	vst v63  }
0x3b: {  	s7 =	rddreg [dreg:$0xa]  }
0x3c: {  	[tilespmem:s7], [sflag:$0x1] =	stream.indirect_vreg.gather [hbm4b:s2+s3], $0x80, v3, vm0, $0xb8;
	[tilespmem:$0x10100] =	vst v63  }
0x3d: {  	v3 =	vld [tilespmem:$0x30];
	_ =	sdelay $0x4  }
0x3e: {  	v51 =	vshll.u32 v3, $0x1  }
0x3f: {  	v3 =	vand.u32 $0x7, v3;
	v4 =	vand.u32 $0xFFFFFFF0, v51  }
0x40: {  	v3 =	vor.u32 v3, v4  }
0x41: {  	v4 =	vperm.xlane v3, v0;
	_ =	sdelay $0x1  }
0x42: {  	v3 =	vperm.xlane v3, v2;
	v4 =	vadd.s32 v1, v4;
	_ =	sdelay $0x1  }
0x43: {  	v3 =	vadd.s32 v1, v3;
	_ =	sdelay $0x1  }
0x44: {  	s0 =	rddreg [dreg:$0xb]  }
0x45: {  	[tilespmem:s0], [sflag:$0x1] =	stream.indirect_vreg.gather [hbm4b:s2+s3], $0x80, v4, vm0, $0xb8;
	[tilespmem:$0x10100] =	vst v63  }
0x46: {  	s7 =	rddreg [dreg:$0xc]  }
0x47: {  	[tilespmem:s7], [sflag:$0x1] =	stream.indirect_vreg.gather [hbm4b:s2+s3], $0x80, v3, vm0, $0xb8;
	[tilespmem:$0x10100] =	vst v63  }
0x48: {  	v3 =	vld [tilespmem:$0x40];
	_ =	sdelay $0x4  }
0x49: {  	v52 =	vshll.u32 v3, $0x1  }
0x4a: {  	v3 =	vand.u32 $0x7, v3;
	v4 =	vand.u32 $0xFFFFFFF0, v52  }
0x4b: {  	v3 =	vor.u32 v3, v4  }
0x4c: {  	v4 =	vperm.xlane v3, v0;
	_ =	sdelay $0x1  }
0x4d: {  	v3 =	vperm.xlane v3, v2;
	v4 =	vadd.s32 v1, v4;
	_ =	sdelay $0x1  }
0x4e: {  	v3 =	vadd.s32 v1, v3;
	_ =	sdelay $0x1  }
0x4f: {  	s7 =	rddreg [dreg:$0xd]  }
0x50: {  	[tilespmem:s7], [sflag:$0x1] =	stream.indirect_vreg.gather [hbm4b:s2+s3], $0x80, v4, vm0, $0xb8;
	[tilespmem:$0x10100] =	vst v63  }
0x51: {  	s7 =	simm.s32 $0x4900  }
0x52: {  	[tilespmem:s7], [sflag:$0x1] =	stream.indirect_vreg.gather [hbm4b:s2+s3], $0x80, v3, vm0, $0xb8;
	[tilespmem:$0x10100] =	vst v63  }
0x53: {  	v3 =	vld [tilespmem:$0x50];
	_ =	sdelay $0x4  }
0x54: {  	v53 =	vshll.u32 v3, $0x1  }
0x55: {  	v3 =	vand.u32 $0x7, v3;
	v4 =	vand.u32 $0xFFFFFFF0, v53  }
0x56: {  	v3 =	vor.u32 v3, v4  }
0x57: {  	v4 =	vperm.xlane v3, v0;
	_ =	sdelay $0x1  }
0x58: {  	v3 =	vperm.xlane v3, v2;
	v4 =	vadd.s32 v1, v4;
	_ =	sdelay $0x1  }
0x59: {  	v3 =	vadd.s32 v1, v3;
	_ =	sdelay $0x2  }
0x5a: {  	[tilespmem:s8], [sflag:$0x1] =	stream.indirect_vreg.gather [hbm4b:s2+s3], $0x80, v4, vm0, $0xb8;
	[tilespmem:$0x10100] =	vst v63  }
0x5b: {  	_ = 	snop  }
0x5c: {  	[tilespmem:s9], [sflag:$0x1] =	stream.indirect_vreg.gather [hbm4b:s2+s3], $0x80, v3, vm0, $0xb8;
	[tilespmem:$0x10100] =	vst v63  }
0x5d: {  	v3 =	vld [tilespmem:$0x60];
	_ =	sdelay $0x4  }
0x5e: {  	v54 =	vshll.u32 v3, $0x1  }
0x5f: {  	v3 =	vand.u32 $0x7, v3;
	v4 =	vand.u32 $0xFFFFFFF0, v54  }
0x60: {  	v3 =	vor.u32 v3, v4  }
0x61: {  	v4 =	vperm.xlane v3, v0;
	_ =	sdelay $0x1  }
0x62: {  	v3 =	vperm.xlane v3, v2;
	v4 =	vadd.s32 v1, v4;
	_ =	sdelay $0x1  }
0x63: {  	v3 =	vadd.s32 v1, v3;
	_ =	sdelay $0x2  }
0x64: {  	[tilespmem:s10], [sflag:$0x1] =	stream.indirect_vreg.gather [hbm4b:s2+s3], $0x80, v4, vm0, $0xb8;
	[tilespmem:$0x10100] =	vst v63  }
0x65: {  	_ = 	snop  }
0x66: {  	[tilespmem:s11], [sflag:$0x1] =	stream.indirect_vreg.gather [hbm4b:s2+s3], $0x80, v3, vm0, $0xb8;
	[tilespmem:$0x10100] =	vst v63  }
0x67: {  	v3 =	vld [tilespmem:$0x70];
	_ =	sdelay $0x4  }
0x68: {  	v55 =	vshll.u32 v3, $0x1  }
0x69: {  	v3 =	vand.u32 $0x7, v3;
	v4 =	vand.u32 $0xFFFFFFF0, v55  }
0x6a: {  	v3 =	vor.u32 v3, v4  }
0x6b: {  	v4 =	vperm.xlane v3, v0;
	_ =	sdelay $0x1  }
0x6c: {  	v3 =	vperm.xlane v3, v2;
	v4 =	vadd.s32 v1, v4;
	_ =	sdelay $0x1  }
0x6d: {  	v3 =	vadd.s32 v1, v3;
	_ =	sdelay $0x2  }
0x6e: {  	[tilespmem:s12], [sflag:$0x1] =	stream.indirect_vreg.gather [hbm4b:s2+s3], $0x80, v4, vm0, $0xb8;
	[tilespmem:$0x10100] =	vst v63  }
0x6f: {  	_ = 	snop  }
0x70: {  	[tilespmem:s13], [sflag:$0x1] =	stream.indirect_vreg.gather [hbm4b:s2+s3], $0x80, v3, vm0, $0xb8;
	[tilespmem:$0x10100] =	vst v63  }
0x71: {  	v3 =	vld [tilespmem:$0x80];
	_ =	sdelay $0x4  }
0x72: {  	v56 =	vshll.u32 v3, $0x1  }
0x73: {  	v3 =	vand.u32 $0x7, v3;
	v4 =	vand.u32 $0xFFFFFFF0, v56  }
0x74: {  	v3 =	vor.u32 v3, v4  }
0x75: {  	v4 =	vperm.xlane v3, v0;
	_ =	sdelay $0x1  }
0x76: {  	v3 =	vperm.xlane v3, v2;
	v4 =	vadd.s32 v1, v4;
	_ =	sdelay $0x1  }
0x77: {  	v3 =	vadd.s32 v1, v3;
	_ =	sdelay $0x2  }
0x78: {  	[tilespmem:s14], [sflag:$0x2] =	stream.indirect_vreg.gather [hbm4b:s2+s3], $0x80, v4, vm0, $0xb8;
	[tilespmem:$0x10100] =	vst v63  }
0x79: {  	_ = 	snop  }
0x7a: {  	[tilespmem:s15], [sflag:$0x2] =	stream.indirect_vreg.gather [hbm4b:s2+s3], $0x80, v3, vm0, $0xb8;
	[tilespmem:$0x10100] =	vst v63  }
0x7b: {  	v3 =	vld [tilespmem:$0x90];
	_ =	sdelay $0x4  }
0x7c: {  	v57 =	vshll.u32 v3, $0x1  }
0x7d: {  	v3 =	vand.u32 $0x7, v3;
	v4 =	vand.u32 $0xFFFFFFF0, v57  }
0x7e: {  	v3 =	vor.u32 v3, v4  }
0x7f: {  	v4 =	vperm.xlane v3, v0;
	_ =	sdelay $0x1  }
0x80: {  	v3 =	vperm.xlane v3, v2;
	v4 =	vadd.s32 v1, v4;
	_ =	sdelay $0x1  }
0x81: {  	v3 =	vadd.s32 v1, v3;
	_ =	sdelay $0x2  }
0x82: {  	[tilespmem:s16], [sflag:$0x2] =	stream.indirect_vreg.gather [hbm4b:s2+s3], $0x80, v4, vm0, $0xb8;
	[tilespmem:$0x10100] =	vst v63  }
0x83: {  	_ = 	snop  }
0x84: {  	[tilespmem:s17], [sflag:$0x2] =	stream.indirect_vreg.gather [hbm4b:s2+s3], $0x80, v3, vm0, $0xb8;
	[tilespmem:$0x10100] =	vst v63  }
0x85: {  	v3 =	vld [tilespmem:$0xA0];
	_ =	sdelay $0x4  }
0x86: {  	v58 =	vshll.u32 v3, $0x1  }
0x87: {  	v3 =	vand.u32 $0x7, v3;
	v4 =	vand.u32 $0xFFFFFFF0, v58  }
0x88: {  	v3 =	vor.u32 v3, v4  }
0x89: {  	v4 =	vperm.xlane v3, v0;
	_ =	sdelay $0x1  }
0x8a: {  	v3 =	vperm.xlane v3, v2;
	v4 =	vadd.s32 v1, v4;
	_ =	sdelay $0x1  }
0x8b: {  	v3 =	vadd.s32 v1, v3;
	_ =	sdelay $0x2  }
0x8c: {  	[tilespmem:s18], [sflag:$0x2] =	stream.indirect_vreg.gather [hbm4b:s2+s3], $0x80, v4, vm0, $0xb8;
	[tilespmem:$0x10100] =	vst v63  }
0x8d: {  	_ = 	snop  }
0x8e: {  	[tilespmem:s19], [sflag:$0x2] =	stream.indirect_vreg.gather [hbm4b:s2+s3], $0x80, v3, vm0, $0xb8;
	[tilespmem:$0x10100] =	vst v63  }
0x8f: {  	v3 =	vld [tilespmem:$0xB0];
	_ =	sdelay $0x4  }
0x90: {  	v59 =	vshll.u32 v3, $0x1  }
0x91: {  	v3 =	vand.u32 $0x7, v3;
	v4 =	vand.u32 $0xFFFFFFF0, v59  }
0x92: {  	v3 =	vor.u32 v3, v4  }
0x93: {  	v4 =	vperm.xlane v3, v0;
	_ =	sdelay $0x1  }
0x94: {  	v3 =	vperm.xlane v3, v2;
	v4 =	vadd.s32 v1, v4;
	_ =	sdelay $0x1  }
0x95: {  	v3 =	vadd.s32 v1, v3;
	_ =	sdelay $0x2  }
0x96: {  	[tilespmem:s20], [sflag:$0x2] =	stream.indirect_vreg.gather [hbm4b:s2+s3], $0x80, v4, vm0, $0xb8;
	[tilespmem:$0x10100] =	vst v63  }
0x97: {  	_ = 	snop  }
0x98: {  	[tilespmem:s21], [sflag:$0x2] =	stream.indirect_vreg.gather [hbm4b:s2+s3], $0x80, v3, vm0, $0xb8;
	[tilespmem:$0x10100] =	vst v63  }
0x99: {  	v3 =	vld [tilespmem:$0xC0];
	_ =	sdelay $0x4  }
0x9a: {  	v60 =	vshll.u32 v3, $0x1  }
0x9b: {  	v3 =	vand.u32 $0x7, v3;
	v4 =	vand.u32 $0xFFFFFFF0, v60  }
0x9c: {  	v3 =	vor.u32 v3, v4  }
0x9d: {  	v4 =	vperm.xlane v3, v0;
	_ =	sdelay $0x1  }
0x9e: {  	v3 =	vperm.xlane v3, v2;
	v4 =	vadd.s32 v1, v4;
	_ =	sdelay $0x1  }
0x9f: {  	v3 =	vadd.s32 v1, v3;
	_ =	sdelay $0x2  }
0xa0: {  	[tilespmem:s22], [sflag:$0x2] =	stream.indirect_vreg.gather [hbm4b:s2+s3], $0x80, v4, vm0, $0xb8;
	[tilespmem:$0x10100] =	vst v63  }
0xa1: {  	_ = 	snop  }
0xa2: {  	[tilespmem:s23], [sflag:$0x2] =	stream.indirect_vreg.gather [hbm4b:s2+s3], $0x80, v3, vm0, $0xb8;
	[tilespmem:$0x10100] =	vst v63  }
0xa3: {  	v3 =	vld [tilespmem:$0xD0];
	_ =	sdelay $0x4  }
0xa4: {  	v61 =	vshll.u32 v3, $0x1  }
0xa5: {  	v3 =	vand.u32 $0x7, v3;
	v4 =	vand.u32 $0xFFFFFFF0, v61  }
0xa6: {  	v3 =	vor.u32 v3, v4  }
0xa7: {  	v4 =	vperm.xlane v3, v0;
	_ =	sdelay $0x1  }
0xa8: {  	v3 =	vperm.xlane v3, v2;
	v4 =	vadd.s32 v1, v4;
	_ =	sdelay $0x1  }
0xa9: {  	v3 =	vadd.s32 v1, v3;
	_ =	sdelay $0x2  }
0xaa: {  	[tilespmem:s24], [sflag:$0x2] =	stream.indirect_vreg.gather [hbm4b:s2+s3], $0x80, v4, vm0, $0xb8;
	[tilespmem:$0x10100] =	vst v63  }
0xab: {  	_ = 	snop  }
0xac: {  	[tilespmem:s25], [sflag:$0x2] =	stream.indirect_vreg.gather [hbm4b:s2+s3], $0x80, v3, vm0, $0xb8;
	[tilespmem:$0x10100] =	vst v63  }
0xad: {  	v3 =	vld [tilespmem:$0xE0];
	_ =	sdelay $0x4  }
0xae: {  	v62 =	vshll.u32 v3, $0x1  }
0xaf: {  	v3 =	vand.u32 $0x7, v3;
	v4 =	vand.u32 $0xFFFFFFF0, v62  }
0xb0: {  	v3 =	vor.u32 v3, v4  }
0xb1: {  	v4 =	vperm.xlane v3, v0;
	_ =	sdelay $0x1  }
0xb2: {  	v3 =	vperm.xlane v3, v2;
	v4 =	vadd.s32 v1, v4;
	_ =	sdelay $0x1  }
0xb3: {  	v3 =	vadd.s32 v1, v3;
	_ =	sdelay $0x2  }
0xb4: {  	[tilespmem:s26], [sflag:$0x2] =	stream.indirect_vreg.gather [hbm4b:s2+s3], $0x80, v4, vm0, $0xb8;
	[tilespmem:$0x10100] =	vst v63  }
0xb5: {  	_ = 	snop  }
0xb6: {  	[tilespmem:s28], [sflag:$0x2] =	stream.indirect_vreg.gather [hbm4b:s2+s3], $0x80, v3, vm0, $0xb8;
	[tilespmem:$0x10100] =	vst v63  }
0xb7: {  	v3 =	vld [tilespmem:$0xF0];
	_ =	sdelay $0x4  }
0xb8: {  	v63 =	vshll.u32 v3, $0x1  }
0xb9: {  	v3 =	vand.u32 $0x7, v3;
	v4 =	vand.u32 $0xFFFFFFF0, v63  }
0xba: {  	v3 =	vor.u32 v3, v4  }
0xbb: {  	v4 =	vperm.xlane v3, v0;
	_ =	sdelay $0x1  }
0xbc: {  	v3 =	vperm.xlane v3, v2;
	v4 =	vadd.s32 v1, v4;
	_ =	sdelay $0x1  }
0xbd: {  	v3 =	vadd.s32 v1, v3;
	_ =	sdelay $0x2  }
0xbe: {  	[tilespmem:s29], [sflag:$0x2] =	stream.indirect_vreg.gather [hbm4b:s2+s3], $0x80, v4, vm0, $0xb8;
	[tilespmem:$0x10100] =	vst v63  }
0xbf: {  	_ = 	snop  }
0xc0: {  	[tilespmem:s30], [sflag:$0x2] =	stream.indirect_vreg.gather [hbm4b:s2+s3], $0x80, v3, vm0, $0xb8;
	[tilespmem:$0x10100] =	vst v63  }
0xc1: {  	_ =	swait.ge [sflag:s31], $0x8000  }
0xc2: {  	[sflag:s31] =	ssyncset.done $0x0  }
0xc3: {  	s7 =	rddreg [dreg:$0x4];
	[sflag:s31] =	ssyncadd.s32 $0xFFFF8000  }
0xc4: {  	[hbm4b:s7+s3] =	stream.linear.scatter [tilespmem:s6], [sflag:$0x3], $0x8000, $0x38;
	[tilespmem:$0x10100] =	vst v63  }
0xc5: {  	_ =	swait.ge [sflag:s5], $0x8000  }
0xc6: {  	[sflag:s5] =	ssyncset.done $0x0  }
0xc7: {  	[sflag:s5] =	ssyncadd.s32 $0xFFFF8000  }
0xc8: {  	_ =	swait.ge [sflag:s1], $0x8000  }
0xc9: {  	p0 =	sne.s32 s4, $0x1;
	[sflag:s1] =	ssyncset.done $0x0  }
.Ltmp0:
0xca: {  	s7 =	rddreg [dreg:$0x5];
	[sflag:s1] =	ssyncadd.s32 $0xFFFF8000;
	(pc) =	sbr.rel @p0 .LBB2_1-.Ltmp0, $4  }
0xcb: {  	[hbm4b:s7+s3] =	stream.linear.scatter [tilespmem:s14], [sflag:$0x3], $0x8000, $0x38;
	[tilespmem:$0x10100] =	vst v63  }
0xcc: {  	_ =	swait.ge [sflag:s5], $0x8000  }
0xcd: {  	[sflag:s5] =	ssyncset.done $0x0  }
0xce: {  	s4 =	sadd.s32 $0xFFFFFFFF, s4;
	[sflag:s5] =	ssyncadd.s32 $0xFFFF8000  }
0xcf: {  	_ =	sfence.sel $0x180000  }
0xd0: {  	[bflag:$0x0] =	sbarrier.arrive $0xFFFF  }
0xd1: {  	_ =	strace $0x90000047  }
0xd2: {  	s0 =	stileid.u32;
	[bflag:$0x2] =	sbarrier.arrive $0xFFFF  }
0xd3: {  	p0 =	sne.s32 s0, $0x0;
	s0 =	rddreg [dreg:$0x2]  }
0xd4: {  	s0 =	sadd.s32 @!p0 $0x100000, s0  }
0xd5: {  	[sflag:s0] =	ssyncadd.tile.s32 @!p0 $0x1;
	_ =	shalt  }
.Lfunc_end2:
_tile_overlayer_lowered:
.L_overlay_start_2:
0xd6: {  	(tag) =	ssettag $0x2  }
0xd7: {  	s0 =	rddreg [dreg:$0x0];
	s2 =	stileid.u32  }
0xd8: {  	s1 =	rddreg [dreg:$0x1];
	p0 =	sne.s32 s2, $0x0  }
0xd9: {  	s3 =	rddreg [dreg:$0x2];
	[bflag:$0x3] =	sbarrier.arrive $0xFFFF;
	s2 =	simm.s32 @!p0 $0x1C03  }
0xda: {  	[timem:s3], [sflag:s2] =	dma.local @!p0 [hbm:s0], s1  }
0xdb: {  	s0 =	simm.s32 @!p0 $0x3  }
0xdc: {  	_ =	swait.ge @!p0 [sflag:s0], s1  }
0xdd: {  	s1 =	ssub.s32 @!p0 $0x0, s1;
	[sflag:s0] =	ssyncset.done @!p0 $0x0  }
0xde: {  	[sflag:s0] =	ssyncadd.s32 @!p0 s1  }
0xdf: {  	[bflag:$0x3] =	sbarrier.arrive $0xFFFF  }
0xe0: {  	_ =	shalt  }

</sc_bundles>
